<compile_context>
chip_gen: v7x
topology: tpu7x:2x2x1
jax: 0.10.2.dev20260603
libtpu: 0.0.44.dev20260713+nightly
codegen_flags: <defaults>
</compile_context>

<pallas_src>
import functools

import jax
import jax.numpy as jnp
from jax import lax
from jax.experimental import pallas as pl
from jax.experimental.pallas import tpu as pltpu
from jax.experimental.pallas import tpu_sc as plsc

N_NODES = 10000
N_EDGES = 320000
D = 128
NC = 2
NS = 16
CHUNK = 128

EDGES_PER_CORE = N_EDGES // NC
CHUNKS_PER_CORE = EDGES_PER_CORE // CHUNK
ROW_STRIDE = 624
ROW_SPAN = 640

NBI = 5
NBR = 2
N_ITERS = -(-CHUNKS_PER_CORE // NS)


def _sc_partials():
    mesh = plsc.VectorSubcoreMesh(core_axis_name="c", subcore_axis_name="s")

    @functools.partial(
        pl.kernel,
        out_type=(jax.ShapeDtypeStruct((N_NODES, D), jnp.float32),
                  jax.ShapeDtypeStruct((N_NODES, D), jnp.float32)),
        mesh=mesh,
        scratch_types=[
            pltpu.VMEM_SHARED((N_NODES, D), jnp.float32),
            pltpu.VMEM((NBI, CHUNK), jnp.int32),
            pltpu.VMEM((NBI, CHUNK), jnp.int32),
            pltpu.VMEM((NBR, CHUNK, D), jnp.float32),
            pltpu.SemaphoreType.DMA((NBI,)),
            pltpu.SemaphoreType.DMA((NBR,)),
            pltpu.SemaphoreType.DMA((NBR,)),
        ],
    )
    def k(x_hbm, ei_hbm, zeros_hbm, part0_hbm, part1_hbm,
          acc, src_idx, dst_idx, rows, isem, gsem, ssem):
        c = lax.axis_index("c")
        t = lax.axis_index("s")

        ebase = c * EDGES_PER_CORE

        def chunk_base(j):
            g = j * NS + t
            valid = g < CHUNKS_PER_CORE
            base = ebase + jnp.where(valid, g, 0) * CHUNK
            return base, valid

        def start_idx(j):
            bi = j % NBI
            base, _ = chunk_base(j)
            pltpu.async_copy(ei_hbm.at[1, pl.ds(base, CHUNK)], src_idx.at[bi],
                             isem.at[bi])
            pltpu.async_copy(ei_hbm.at[0, pl.ds(base, CHUNK)], dst_idx.at[bi],
                             isem.at[bi])

        def wait_idx(j):
            bi = j % NBI
            base, _ = chunk_base(j)
            pltpu.make_async_copy(ei_hbm.at[1, pl.ds(base, CHUNK)],
                                  src_idx.at[bi], isem.at[bi]).wait()
            pltpu.make_async_copy(ei_hbm.at[0, pl.ds(base, CHUNK)],
                                  dst_idx.at[bi], isem.at[bi]).wait()

        def start_gather(j):
            bi, br = j % NBI, j % NBR
            pltpu.async_copy(x_hbm.at[src_idx.at[bi]], rows.at[br], gsem.at[br])

        def wait_gather(j):
            bi, br = j % NBI, j % NBR
            pltpu.make_async_copy(x_hbm.at[src_idx.at[bi]], rows.at[br],
                                  gsem.at[br]).wait()

        def start_scatter(j):
            bi, br = j % NBI, j % NBR
            _, valid = chunk_base(j)

            @pl.when(valid)
            def _():
                pltpu.async_copy(rows.at[br], acc.at[dst_idx.at[bi]],
                                 ssem.at[br], priority=1, add=True)

        def wait_scatter(j):
            bi, br = j % NBI, j % NBR
            _, valid = chunk_base(j)

            @pl.when(valid)
            def _():
                pltpu.make_async_copy(rows.at[br], acc.at[dst_idx.at[bi]],
                                      ssem.at[br]).wait()

        for m in range(NBI - 1):
            start_idx(m)
        pltpu.sync_copy(zeros_hbm, acc.at[pl.ds(t * ROW_STRIDE, ROW_SPAN)])
        plsc.subcore_barrier()
        for m in range(NBR - 1):
            wait_idx(m)
            start_gather(m)

        wait_idx(NBR - 1)
        start_gather(NBR - 1)
        wait_gather(0)
        start_scatter(0)
        start_idx(NBI - 1)

        def loop_body(j, carry):
            m = j + NBR - 1
            wait_idx(m)
            wait_scatter(j - 1)
            start_gather(m)
            wait_gather(j)
            start_scatter(j)
            start_idx(j + NBI - 1)
            return carry

        lax.fori_loop(1, N_ITERS, loop_body, 0)

        wait_scatter(N_ITERS - 1)
        for p in range(NBR - 1):
            wait_gather(N_ITERS + p)
        for p in range(NBI - NBR):
            wait_idx(N_ITERS + NBR - 1 + p)
        plsc.subcore_barrier()

        r0 = t * ROW_STRIDE

        @pl.when(c == 0)
        def _():
            pltpu.sync_copy(acc.at[pl.ds(r0, ROW_SPAN)],
                            part0_hbm.at[pl.ds(r0, ROW_SPAN)])

        @pl.when(c == 1)
        def _():
            pltpu.sync_copy(acc.at[pl.ds(r0, ROW_SPAN)],
                            part1_hbm.at[pl.ds(r0, ROW_SPAN)])

    return k


_sc_kernel = _sc_partials()


def _merge_body(a_ref, b_ref, o_ref):
    o_ref[...] = a_ref[...] + b_ref[...]


def kernel(x, edge_index):
    zeros = jnp.zeros((ROW_SPAN, D), jnp.float32)
    p0, p1 = _sc_kernel(x, edge_index, zeros)
    blk = 5000
    out = pl.pallas_call(
        _merge_body,
        out_shape=jax.ShapeDtypeStruct((N_NODES, D), jnp.float32),
        grid=(N_NODES // blk,),
        in_specs=[pl.BlockSpec((blk, D), lambda i: (i, 0))] * 2,
        out_specs=pl.BlockSpec((blk, D), lambda i: (i, 0)),
    )(p0, p1)
    return out

# --- scband reference (transcript-rebuilt; emitter-appended) ---
"""Pipeline reference for scband-message-passing-32847909879996 (READ-ONLY COPY).

The authoritative reference and input builder live on the scoring server;
editing this copy changes nothing except your own understanding.
"""

import jax, jax.numpy as jnp
import numpy as np

N_NODES = 10000
N_EDGES = 320000
D_FEAT = 128


def setup_inputs(seed: int = 0) -> dict:
    key = jax.random.key(seed)
    k1, k2 = jax.random.split(key)
    x = jax.random.normal(k1, (N_NODES, D_FEAT), dtype=jnp.float32)
    edge_index = jax.random.randint(k2, (2, N_EDGES), 0, N_NODES, dtype=jnp.int32)
    return {"x": x, "edge_index": edge_index}


def reference(x, edge_index):
    # MessagePassing.propagate('add', edge_index, x=x):
    #   message(x_j) = x[edge_index[1]]  (gather along source nodes)
    #   scatter_('add', msgs, edge_index[0], dim_size=N) (scatter-add to dst nodes)
    #   update(aggr_out) = aggr_out  (identity)
    msgs = jnp.take(x, edge_index[1], axis=0)
    out = jax.ops.segment_sum(msgs, edge_index[0], num_segments=x.shape[0])
    return out

if __name__ == "__main__":
    import jax
    _d = setup_inputs()
    print(jax.jit(kernel)(*tuple(_d.values())))

</pallas_src>

<mosaic_0001>
#map = affine_map<(d0, d1) -> (0, 0)>
module attributes {stable_mosaic.version = 14 : i64} {
  func.func @k(%arg0: i32, %arg1: i32, %arg2: memref<10000x128xf32, #tpu.memory_space<hbm>>, %arg3: memref<2x320000xi32, #tpu.memory_space<hbm>>, %arg4: memref<640x128xf32, #tpu.memory_space<hbm>>, %arg5: memref<10000x128xf32, #tpu.memory_space<hbm>>, %arg6: memref<10000x128xf32, #tpu.memory_space<hbm>>, %arg7: memref<10000x128xf32, #tpu.memory_space<vmem_shared>>, %arg8: memref<5x128xi32, #tpu.memory_space<vmem>>, %arg9: memref<5x128xi32, #tpu.memory_space<vmem>>, %arg10: memref<2x128x128xf32, #tpu.memory_space<vmem>>, %arg11: memref<5x!tpu.dma_semaphore, #tpu.memory_space<semaphore_mem>>, %arg12: memref<2x!tpu.dma_semaphore, #tpu.memory_space<semaphore_mem>>, %arg13: memref<2x!tpu.dma_semaphore, #tpu.memory_space<semaphore_mem>>) attributes {dimension_semantics = [#tpu.dimension_semantics<core_parallel>, #tpu.dimension_semantics<subcore_parallel>], iteration_bounds = array<i64: 2, 16>, scalar_prefetch = 0 : i64, scratch_operands = 7 : i64, tpu.core_type = #tpu.core_type<sc_vector_subcore>, window_params = [{transform_indices = #map}, {transform_indices = #map}, {transform_indices = #map}, {transform_indices = #map}, {transform_indices = #map}]} {
    %mul3A = arith.constant 160000 : i32
    %mul3A_0 = arith.muli %arg0, %mul3A : i32
    %add3A = arith.constant 0 : i32
    %add3A_1 = arith.addi %add3A, %arg1 : i32
    %lt3A = arith.constant 1250 : i32
    %lt3A_2 = arith.cmpi slt, %add3A_1, %lt3A : i32
    %jit3A = arith.constant 0 : i32
    %select_n3A = arith.select %lt3A_2, %add3A_1, %jit3A : i32
    %mul3A_3 = arith.constant 128 : i32
    %mul3A_4 = arith.muli %select_n3A, %mul3A_3 : i32
    %add3A_5 = arith.addi %mul3A_0, %mul3A_4 : i32
    %dma_start3A = arith.constant 1 : i32
    %dma_start3A_6 = arith.constant 0 : i32
    %dma_start3A_7 = arith.constant 0 : i32
    %dma_start3A_8 = arith.constant 0 : i32
    %dma_start3A_9 = tpu.memref_slice %arg8[%dma_start3A_6, %dma_start3A_8] : memref<5x128xi32, #tpu.memory_space<vmem>> -> memref<1x128xi32, #tpu.memory_space<vmem>>
    %dma_start3A_10 = tpu.memref_squeeze %dma_start3A_9 : memref<1x128xi32, #tpu.memory_space<vmem>> -> memref<128xi32, #tpu.memory_space<vmem>>
    %dma_start3A_11 = tpu.memref_slice %arg3[%dma_start3A, %add3A_5] : memref<2x320000xi32, #tpu.memory_space<hbm>> -> memref<1x128xi32, #tpu.memory_space<hbm>>
    %dma_start3A_12 = tpu.memref_squeeze %dma_start3A_11 : memref<1x128xi32, #tpu.memory_space<hbm>> -> memref<128xi32, #tpu.memory_space<hbm>>
    %dma_start3A_13 = tpu.memref_slice %arg11[%dma_start3A_7] : memref<5x!tpu.dma_semaphore, #tpu.memory_space<semaphore_mem>> -> memref<1x!tpu.dma_semaphore, #tpu.memory_space<semaphore_mem>>
    %dma_start3A_14 = tpu.memref_squeeze %dma_start3A_13 : memref<1x!tpu.dma_semaphore, #tpu.memory_space<semaphore_mem>> -> memref<!tpu.dma_semaphore, #tpu.memory_space<semaphore_mem>>
    %dma_start3A_15 = arith.constant 0 : i32
    %dma_start3A_16 = tpu.memref_slice %arg8[%dma_start3A_6, %dma_start3A_15] : memref<5x128xi32, #tpu.memory_space<vmem>> -> memref<1x128xi32, #tpu.memory_space<vmem>>
    %dma_start3A_17 = tpu.memref_squeeze %dma_start3A_16 : memref<1x128xi32, #tpu.memory_space<vmem>> -> memref<128xi32, #tpu.memory_space<vmem>>
    %dma_start3A_18 = tpu.memref_slice %arg3[%dma_start3A, %add3A_5] : memref<2x320000xi32, #tpu.memory_space<hbm>> -> memref<1x128xi32, #tpu.memory_space<hbm>>
    %dma_start3A_19 = tpu.memref_squeeze %dma_start3A_18 : memref<1x128xi32, #tpu.memory_space<hbm>> -> memref<128xi32, #tpu.memory_space<hbm>>
    tpu.enqueue_dma source(%dma_start3A_19 : memref<128xi32, #tpu.memory_space<hbm>>) target(%dma_start3A_17 : memref<128xi32, #tpu.memory_space<vmem>>) target_semaphore(%dma_start3A_14 : memref<!tpu.dma_semaphore, #tpu.memory_space<semaphore_mem>>)
    %dma_start3A_20 = arith.constant 0 : i32
    %dma_start3A_21 = arith.constant 0 : i32
    %dma_start3A_22 = arith.constant 0 : i32
    %dma_start3A_23 = arith.constant 0 : i32
    %dma_start3A_24 = tpu.memref_slice %arg9[%dma_start3A_21, %dma_start3A_23] : memref<5x128xi32, #tpu.memory_space<vmem>> -> memref<1x128xi32, #tpu.memory_space<vmem>>
    %dma_start3A_25 = tpu.memref_squeeze %dma_start3A_24 : memref<1x128xi32, #tpu.memory_space<vmem>> -> memref<128xi32, #tpu.memory_space<vmem>>
    %dma_start3A_26 = tpu.memref_slice %arg3[%dma_start3A_20, %add3A_5] : memref<2x320000xi32, #tpu.memory_space<hbm>> -> memref<1x128xi32, #tpu.memory_space<hbm>>
    %dma_start3A_27 = tpu.memref_squeeze %dma_start3A_26 : memref<1x128xi32, #tpu.memory_space<hbm>> -> memref<128xi32, #tpu.memory_space<hbm>>
    %dma_start3A_28 = tpu.memref_slice %arg11[%dma_start3A_22] : memref<5x!tpu.dma_semaphore, #tpu.memory_space<semaphore_mem>> -> memref<1x!tpu.dma_semaphore, #tpu.memory_space<semaphore_mem>>
    %dma_start3A_29 = tpu.memref_squeeze %dma_start3A_28 : memref<1x!tpu.dma_semaphore, #tpu.memory_space<semaphore_mem>> -> memref<!tpu.dma_semaphore, #tpu.memory_space<semaphore_mem>>
    %dma_start3A_30 = arith.constant 0 : i32
    %dma_start3A_31 = tpu.memref_slice %arg9[%dma_start3A_21, %dma_start3A_30] : memref<5x128xi32, #tpu.memory_space<vmem>> -> memref<1x128xi32, #tpu.memory_space<vmem>>
    %dma_start3A_32 = tpu.memref_squeeze %dma_start3A_31 : memref<1x128xi32, #tpu.memory_space<vmem>> -> memref<128xi32, #tpu.memory_space<vmem>>
    %dma_start3A_33 = tpu.memref_slice %arg3[%dma_start3A_20, %add3A_5] : memref<2x320000xi32, #tpu.memory_space<hbm>> -> memref<1x128xi32, #tpu.memory_space<hbm>>
    %dma_start3A_34 = tpu.memref_squeeze %dma_start3A_33 : memref<1x128xi32, #tpu.memory_space<hbm>> -> memref<128xi32, #tpu.memory_space<hbm>>
    tpu.enqueue_dma source(%dma_start3A_34 : memref<128xi32, #tpu.memory_space<hbm>>) target(%dma_start3A_32 : memref<128xi32, #tpu.memory_space<vmem>>) target_semaphore(%dma_start3A_29 : memref<!tpu.dma_semaphore, #tpu.memory_space<semaphore_mem>>)
    %add3A_35 = arith.constant 16 : i32
    %add3A_36 = arith.addi %add3A_35, %arg1 : i32
    %lt3A_37 = arith.constant 1250 : i32
    %lt3A_38 = arith.cmpi slt, %add3A_36, %lt3A_37 : i32
    %jit3A_39 = arith.constant 0 : i32
    %select_n3A_40 = arith.select %lt3A_38, %add3A_36, %jit3A_39 : i32
    %mul3A_41 = arith.constant 128 : i32
    %mul3A_42 = arith.muli %select_n3A_40, %mul3A_41 : i32
    %add3A_43 = arith.addi %mul3A_0, %mul3A_42 : i32
    %dma_start3A_44 = arith.constant 1 : i32
    %dma_start3A_45 = arith.constant 1 : i32
    %dma_start3A_46 = arith.constant 1 : i32
    %dma_start3A_47 = arith.constant 0 : i32
    %dma_start3A_48 = tpu.memref_slice %arg8[%dma_start3A_45, %dma_start3A_47] : memref<5x128xi32, #tpu.memory_space<vmem>> -> memref<1x128xi32, #tpu.memory_space<vmem>>
    %dma_start3A_49 = tpu.memref_squeeze %dma_start3A_48 : memref<1x128xi32, #tpu.memory_space<vmem>> -> memref<128xi32, #tpu.memory_space<vmem>>
    %dma_start3A_50 = tpu.memref_slice %arg3[%dma_start3A_44, %add3A_43] : memref<2x320000xi32, #tpu.memory_space<hbm>> -> memref<1x128xi32, #tpu.memory_space<hbm>>
    %dma_start3A_51 = tpu.memref_squeeze %dma_start3A_50 : memref<1x128xi32, #tpu.memory_space<hbm>> -> memref<128xi32, #tpu.memory_space<hbm>>
    %dma_start3A_52 = tpu.memref_slice %arg11[%dma_start3A_46] : memref<5x!tpu.dma_semaphore, #tpu.memory_space<semaphore_mem>> -> memref<1x!tpu.dma_semaphore, #tpu.memory_space<semaphore_mem>>
    %dma_start3A_53 = tpu.memref_squeeze %dma_start3A_52 : memref<1x!tpu.dma_semaphore, #tpu.memory_space<semaphore_mem>> -> memref<!tpu.dma_semaphore, #tpu.memory_space<semaphore_mem>>
    %dma_start3A_54 = arith.constant 0 : i32
    %dma_start3A_55 = tpu.memref_slice %arg8[%dma_start3A_45, %dma_start3A_54] : memref<5x128xi32, #tpu.memory_space<vmem>> -> memref<1x128xi32, #tpu.memory_space<vmem>>
    %dma_start3A_56 = tpu.memref_squeeze %dma_start3A_55 : memref<1x128xi32, #tpu.memory_space<vmem>> -> memref<128xi32, #tpu.memory_space<vmem>>
    %dma_start3A_57 = tpu.memref_slice %arg3[%dma_start3A_44, %add3A_43] : memref<2x320000xi32, #tpu.memory_space<hbm>> -> memref<1x128xi32, #tpu.memory_space<hbm>>
    %dma_start3A_58 = tpu.memref_squeeze %dma_start3A_57 : memref<1x128xi32, #tpu.memory_space<hbm>> -> memref<128xi32, #tpu.memory_space<hbm>>
    tpu.enqueue_dma source(%dma_start3A_58 : memref<128xi32, #tpu.memory_space<hbm>>) target(%dma_start3A_56 : memref<128xi32, #tpu.memory_space<vmem>>) target_semaphore(%dma_start3A_53 : memref<!tpu.dma_semaphore, #tpu.memory_space<semaphore_mem>>)
    %dma_start3A_59 = arith.constant 0 : i32
    %dma_start3A_60 = arith.constant 1 : i32
    %dma_start3A_61 = arith.constant 1 : i32
    %dma_start3A_62 = arith.constant 0 : i32
    %dma_start3A_63 = tpu.memref_slice %arg9[%dma_start3A_60, %dma_start3A_62] : memref<5x128xi32, #tpu.memory_space<vmem>> -> memref<1x128xi32, #tpu.memory_space<vmem>>
    %dma_start3A_64 = tpu.memref_squeeze %dma_start3A_63 : memref<1x128xi32, #tpu.memory_space<vmem>> -> memref<128xi32, #tpu.memory_space<vmem>>
    %dma_start3A_65 = tpu.memref_slice %arg3[%dma_start3A_59, %add3A_43] : memref<2x320000xi32, #tpu.memory_space<hbm>> -> memref<1x128xi32, #tpu.memory_space<hbm>>
    %dma_start3A_66 = tpu.memref_squeeze %dma_start3A_65 : memref<1x128xi32, #tpu.memory_space<hbm>> -> memref<128xi32, #tpu.memory_space<hbm>>
    %dma_start3A_67 = tpu.memref_slice %arg11[%dma_start3A_61] : memref<5x!tpu.dma_semaphore, #tpu.memory_space<semaphore_mem>> -> memref<1x!tpu.dma_semaphore, #tpu.memory_space<semaphore_mem>>
    %dma_start3A_68 = tpu.memref_squeeze %dma_start3A_67 : memref<1x!tpu.dma_semaphore, #tpu.memory_space<semaphore_mem>> -> memref<!tpu.dma_semaphore, #tpu.memory_space<semaphore_mem>>
    %dma_start3A_69 = arith.constant 0 : i32
    %dma_start3A_70 = tpu.memref_slice %arg9[%dma_start3A_60, %dma_start3A_69] : memref<5x128xi32, #tpu.memory_space<vmem>> -> memref<1x128xi32, #tpu.memory_space<vmem>>
    %dma_start3A_71 = tpu.memref_squeeze %dma_start3A_70 : memref<1x128xi32, #tpu.memory_space<vmem>> -> memref<128xi32, #tpu.memory_space<vmem>>
    %dma_start3A_72 = tpu.memref_slice %arg3[%dma_start3A_59, %add3A_43] : memref<2x320000xi32, #tpu.memory_space<hbm>> -> memref<1x128xi32, #tpu.memory_space<hbm>>
    %dma_start3A_73 = tpu.memref_squeeze %dma_start3A_72 : memref<1x128xi32, #tpu.memory_space<hbm>> -> memref<128xi32, #tpu.memory_space<hbm>>
    tpu.enqueue_dma source(%dma_start3A_73 : memref<128xi32, #tpu.memory_space<hbm>>) target(%dma_start3A_71 : memref<128xi32, #tpu.memory_space<vmem>>) target_semaphore(%dma_start3A_68 : memref<!tpu.dma_semaphore, #tpu.memory_space<semaphore_mem>>)
    %add3A_74 = arith.constant 32 : i32
    %add3A_75 = arith.addi %add3A_74, %arg1 : i32
    %lt3A_76 = arith.constant 1250 : i32
    %lt3A_77 = arith.cmpi slt, %add3A_75, %lt3A_76 : i32
    %jit3A_78 = arith.constant 0 : i32
    %select_n3A_79 = arith.select %lt3A_77, %add3A_75, %jit3A_78 : i32
    %mul3A_80 = arith.constant 128 : i32
    %mul3A_81 = arith.muli %select_n3A_79, %mul3A_80 : i32
    %add3A_82 = arith.addi %mul3A_0, %mul3A_81 : i32
    %dma_start3A_83 = arith.constant 1 : i32
    %dma_start3A_84 = arith.constant 2 : i32
    %dma_start3A_85 = arith.constant 2 : i32
    %dma_start3A_86 = arith.constant 0 : i32
    %dma_start3A_87 = tpu.memref_slice %arg8[%dma_start3A_84, %dma_start3A_86] : memref<5x128xi32, #tpu.memory_space<vmem>> -> memref<1x128xi32, #tpu.memory_space<vmem>>
    %dma_start3A_88 = tpu.memref_squeeze %dma_start3A_87 : memref<1x128xi32, #tpu.memory_space<vmem>> -> memref<128xi32, #tpu.memory_space<vmem>>
    %dma_start3A_89 = tpu.memref_slice %arg3[%dma_start3A_83, %add3A_82] : memref<2x320000xi32, #tpu.memory_space<hbm>> -> memref<1x128xi32, #tpu.memory_space<hbm>>
    %dma_start3A_90 = tpu.memref_squeeze %dma_start3A_89 : memref<1x128xi32, #tpu.memory_space<hbm>> -> memref<128xi32, #tpu.memory_space<hbm>>
    %dma_start3A_91 = tpu.memref_slice %arg11[%dma_start3A_85] : memref<5x!tpu.dma_semaphore, #tpu.memory_space<semaphore_mem>> -> memref<1x!tpu.dma_semaphore, #tpu.memory_space<semaphore_mem>>
    %dma_start3A_92 = tpu.memref_squeeze %dma_start3A_91 : memref<1x!tpu.dma_semaphore, #tpu.memory_space<semaphore_mem>> -> memref<!tpu.dma_semaphore, #tpu.memory_space<semaphore_mem>>
    %dma_start3A_93 = arith.constant 0 : i32
    %dma_start3A_94 = tpu.memref_slice %arg8[%dma_start3A_84, %dma_start3A_93] : memref<5x128xi32, #tpu.memory_space<vmem>> -> memref<1x128xi32, #tpu.memory_space<vmem>>
    %dma_start3A_95 = tpu.memref_squeeze %dma_start3A_94 : memref<1x128xi32, #tpu.memory_space<vmem>> -> memref<128xi32, #tpu.memory_space<vmem>>
    %dma_start3A_96 = tpu.memref_slice %arg3[%dma_start3A_83, %add3A_82] : memref<2x320000xi32, #tpu.memory_space<hbm>> -> memref<1x128xi32, #tpu.memory_space<hbm>>
    %dma_start3A_97 = tpu.memref_squeeze %dma_start3A_96 : memref<1x128xi32, #tpu.memory_space<hbm>> -> memref<128xi32, #tpu.memory_space<hbm>>
    tpu.enqueue_dma source(%dma_start3A_97 : memref<128xi32, #tpu.memory_space<hbm>>) target(%dma_start3A_95 : memref<128xi32, #tpu.memory_space<vmem>>) target_semaphore(%dma_start3A_92 : memref<!tpu.dma_semaphore, #tpu.memory_space<semaphore_mem>>)
    %dma_start3A_98 = arith.constant 0 : i32
    %dma_start3A_99 = arith.constant 2 : i32
    %dma_start3A_100 = arith.constant 2 : i32
    %dma_start3A_101 = arith.constant 0 : i32
    %dma_start3A_102 = tpu.memref_slice %arg9[%dma_start3A_99, %dma_start3A_101] : memref<5x128xi32, #tpu.memory_space<vmem>> -> memref<1x128xi32, #tpu.memory_space<vmem>>
    %dma_start3A_103 = tpu.memref_squeeze %dma_start3A_102 : memref<1x128xi32, #tpu.memory_space<vmem>> -> memref<128xi32, #tpu.memory_space<vmem>>
    %dma_start3A_104 = tpu.memref_slice %arg3[%dma_start3A_98, %add3A_82] : memref<2x320000xi32, #tpu.memory_space<hbm>> -> memref<1x128xi32, #tpu.memory_space<hbm>>
    %dma_start3A_105 = tpu.memref_squeeze %dma_start3A_104 : memref<1x128xi32, #tpu.memory_space<hbm>> -> memref<128xi32, #tpu.memory_space<hbm>>
    %dma_start3A_106 = tpu.memref_slice %arg11[%dma_start3A_100] : memref<5x!tpu.dma_semaphore, #tpu.memory_space<semaphore_mem>> -> memref<1x!tpu.dma_semaphore, #tpu.memory_space<semaphore_mem>>
    %dma_start3A_107 = tpu.memref_squeeze %dma_start3A_106 : memref<1x!tpu.dma_semaphore, #tpu.memory_space<semaphore_mem>> -> memref<!tpu.dma_semaphore, #tpu.memory_space<semaphore_mem>>
    %dma_start3A_108 = arith.constant 0 : i32
    %dma_start3A_109 = tpu.memref_slice %arg9[%dma_start3A_99, %dma_start3A_108] : memref<5x128xi32, #tpu.memory_space<vmem>> -> memref<1x128xi32, #tpu.memory_space<vmem>>
    %dma_start3A_110 = tpu.memref_squeeze %dma_start3A_109 : memref<1x128xi32, #tpu.memory_space<vmem>> -> memref<128xi32, #tpu.memory_space<vmem>>
    %dma_start3A_111 = tpu.memref_slice %arg3[%dma_start3A_98, %add3A_82] : memref<2x320000xi32, #tpu.memory_space<hbm>> -> memref<1x128xi32, #tpu.memory_space<hbm>>
    %dma_start3A_112 = tpu.memref_squeeze %dma_start3A_111 : memref<1x128xi32, #tpu.memory_space<hbm>> -> memref<128xi32, #tpu.memory_space<hbm>>
    tpu.enqueue_dma source(%dma_start3A_112 : memref<128xi32, #tpu.memory_space<hbm>>) target(%dma_start3A_110 : memref<128xi32, #tpu.memory_space<vmem>>) target_semaphore(%dma_start3A_107 : memref<!tpu.dma_semaphore, #tpu.memory_space<semaphore_mem>>)
    %add3A_113 = arith.constant 48 : i32
    %add3A_114 = arith.addi %add3A_113, %arg1 : i32
    %lt3A_115 = arith.constant 1250 : i32
    %lt3A_116 = arith.cmpi slt, %add3A_114, %lt3A_115 : i32
    %jit3A_117 = arith.constant 0 : i32
    %select_n3A_118 = arith.select %lt3A_116, %add3A_114, %jit3A_117 : i32
    %mul3A_119 = arith.constant 128 : i32
    %mul3A_120 = arith.muli %select_n3A_118, %mul3A_119 : i32
    %add3A_121 = arith.addi %mul3A_0, %mul3A_120 : i32
    %dma_start3A_122 = arith.constant 1 : i32
    %dma_start3A_123 = arith.constant 3 : i32
    %dma_start3A_124 = arith.constant 3 : i32
    %dma_start3A_125 = arith.constant 0 : i32
    %dma_start3A_126 = tpu.memref_slice %arg8[%dma_start3A_123, %dma_start3A_125] : memref<5x128xi32, #tpu.memory_space<vmem>> -> memref<1x128xi32, #tpu.memory_space<vmem>>
    %dma_start3A_127 = tpu.memref_squeeze %dma_start3A_126 : memref<1x128xi32, #tpu.memory_space<vmem>> -> memref<128xi32, #tpu.memory_space<vmem>>
    %dma_start3A_128 = tpu.memref_slice %arg3[%dma_start3A_122, %add3A_121] : memref<2x320000xi32, #tpu.memory_space<hbm>> -> memref<1x128xi32, #tpu.memory_space<hbm>>
    %dma_start3A_129 = tpu.memref_squeeze %dma_start3A_128 : memref<1x128xi32, #tpu.memory_space<hbm>> -> memref<128xi32, #tpu.memory_space<hbm>>
    %dma_start3A_130 = tpu.memref_slice %arg11[%dma_start3A_124] : memref<5x!tpu.dma_semaphore, #tpu.memory_space<semaphore_mem>> -> memref<1x!tpu.dma_semaphore, #tpu.memory_space<semaphore_mem>>
    %dma_start3A_131 = tpu.memref_squeeze %dma_start3A_130 : memref<1x!tpu.dma_semaphore, #tpu.memory_space<semaphore_mem>> -> memref<!tpu.dma_semaphore, #tpu.memory_space<semaphore_mem>>
    %dma_start3A_132 = arith.constant 0 : i32
    %dma_start3A_133 = tpu.memref_slice %arg8[%dma_start3A_123, %dma_start3A_132] : memref<5x128xi32, #tpu.memory_space<vmem>> -> memref<1x128xi32, #tpu.memory_space<vmem>>
    %dma_start3A_134 = tpu.memref_squeeze %dma_start3A_133 : memref<1x128xi32, #tpu.memory_space<vmem>> -> memref<128xi32, #tpu.memory_space<vmem>>
    %dma_start3A_135 = tpu.memref_slice %arg3[%dma_start3A_122, %add3A_121] : memref<2x320000xi32, #tpu.memory_space<hbm>> -> memref<1x128xi32, #tpu.memory_space<hbm>>
    %dma_start3A_136 = tpu.memref_squeeze %dma_start3A_135 : memref<1x128xi32, #tpu.memory_space<hbm>> -> memref<128xi32, #tpu.memory_space<hbm>>
    tpu.enqueue_dma source(%dma_start3A_136 : memref<128xi32, #tpu.memory_space<hbm>>) target(%dma_start3A_134 : memref<128xi32, #tpu.memory_space<vmem>>) target_semaphore(%dma_start3A_131 : memref<!tpu.dma_semaphore, #tpu.memory_space<semaphore_mem>>)
    %dma_start3A_137 = arith.constant 0 : i32
    %dma_start3A_138 = arith.constant 3 : i32
    %dma_start3A_139 = arith.constant 3 : i32
    %dma_start3A_140 = arith.constant 0 : i32
    %dma_start3A_141 = tpu.memref_slice %arg9[%dma_start3A_138, %dma_start3A_140] : memref<5x128xi32, #tpu.memory_space<vmem>> -> memref<1x128xi32, #tpu.memory_space<vmem>>
    %dma_start3A_142 = tpu.memref_squeeze %dma_start3A_141 : memref<1x128xi32, #tpu.memory_space<vmem>> -> memref<128xi32, #tpu.memory_space<vmem>>
    %dma_start3A_143 = tpu.memref_slice %arg3[%dma_start3A_137, %add3A_121] : memref<2x320000xi32, #tpu.memory_space<hbm>> -> memref<1x128xi32, #tpu.memory_space<hbm>>
    %dma_start3A_144 = tpu.memref_squeeze %dma_start3A_143 : memref<1x128xi32, #tpu.memory_space<hbm>> -> memref<128xi32, #tpu.memory_space<hbm>>
    %dma_start3A_145 = tpu.memref_slice %arg11[%dma_start3A_139] : memref<5x!tpu.dma_semaphore, #tpu.memory_space<semaphore_mem>> -> memref<1x!tpu.dma_semaphore, #tpu.memory_space<semaphore_mem>>
    %dma_start3A_146 = tpu.memref_squeeze %dma_start3A_145 : memref<1x!tpu.dma_semaphore, #tpu.memory_space<semaphore_mem>> -> memref<!tpu.dma_semaphore, #tpu.memory_space<semaphore_mem>>
    %dma_start3A_147 = arith.constant 0 : i32
    %dma_start3A_148 = tpu.memref_slice %arg9[%dma_start3A_138, %dma_start3A_147] : memref<5x128xi32, #tpu.memory_space<vmem>> -> memref<1x128xi32, #tpu.memory_space<vmem>>
    %dma_start3A_149 = tpu.memref_squeeze %dma_start3A_148 : memref<1x128xi32, #tpu.memory_space<vmem>> -> memref<128xi32, #tpu.memory_space<vmem>>
    %dma_start3A_150 = tpu.memref_slice %arg3[%dma_start3A_137, %add3A_121] : memref<2x320000xi32, #tpu.memory_space<hbm>> -> memref<1x128xi32, #tpu.memory_space<hbm>>
    %dma_start3A_151 = tpu.memref_squeeze %dma_start3A_150 : memref<1x128xi32, #tpu.memory_space<hbm>> -> memref<128xi32, #tpu.memory_space<hbm>>
    tpu.enqueue_dma source(%dma_start3A_151 : memref<128xi32, #tpu.memory_space<hbm>>) target(%dma_start3A_149 : memref<128xi32, #tpu.memory_space<vmem>>) target_semaphore(%dma_start3A_146 : memref<!tpu.dma_semaphore, #tpu.memory_space<semaphore_mem>>)
    %mul3A_152 = arith.constant 624 : i32
    %mul3A_153 = arith.muli %arg1, %mul3A_152 : i32
    "tpu.region"() ({
      %run_scoped3A = tpu.sem_alloc : memref<!tpu.dma_semaphore, #tpu.memory_space<semaphore_mem>>
      %dma_start3A_486 = arith.constant 0 : i32
      %dma_start3A_487 = tpu.memref_slice %arg7[%mul3A_153, %dma_start3A_486] : memref<10000x128xf32, #tpu.memory_space<vmem_shared>> -> memref<640x128xf32, #tpu.memory_space<vmem_shared>>
      tpu.enqueue_dma source(%arg4 : memref<640x128xf32, #tpu.memory_space<hbm>>) target(%dma_start3A_487 : memref<640x128xf32, #tpu.memory_space<vmem_shared>>) target_semaphore(%run_scoped3A : memref<!tpu.dma_semaphore, #tpu.memory_space<semaphore_mem>>)
      %dma_wait3A_488 = arith.constant 0 : i32
      %dma_wait3A_489 = tpu.memref_slice %arg7[%mul3A_153, %dma_wait3A_488] : memref<10000x128xf32, #tpu.memory_space<vmem_shared>> -> memref<640x128xf32, #tpu.memory_space<vmem_shared>>
      tpu.wait_dma2 semaphore(%run_scoped3A : memref<!tpu.dma_semaphore, #tpu.memory_space<semaphore_mem>>) src(%arg4 : memref<640x128xf32, #tpu.memory_space<hbm>>) dst(%dma_wait3A_489 : memref<640x128xf32, #tpu.memory_space<vmem_shared>>)
      tpu.yield
    }) : () -> ()
    %barrier3A = arith.constant 0 : index
    tpu.barrier barrier_id(%barrier3A)
    %add3A_154 = arith.constant 0 : i32
    %add3A_155 = arith.addi %add3A_154, %arg1 : i32
    %lt3A_156 = arith.constant 1250 : i32
    %lt3A_157 = arith.cmpi slt, %add3A_155, %lt3A_156 : i32
    %jit3A_158 = arith.constant 0 : i32
    %select_n3A_159 = arith.select %lt3A_157, %add3A_155, %jit3A_158 : i32
    %mul3A_160 = arith.constant 128 : i32
    %mul3A_161 = arith.muli %select_n3A_159, %mul3A_160 : i32
    %add3A_162 = arith.addi %mul3A_0, %mul3A_161 : i32
    %dma_wait3A = arith.constant 1 : i32
    %dma_wait3A_163 = arith.constant 0 : i32
    %dma_wait3A_164 = arith.constant 0 : i32
    %dma_wait3A_165 = arith.constant 0 : i32
    %dma_wait3A_166 = tpu.memref_slice %arg8[%dma_wait3A_163, %dma_wait3A_165] : memref<5x128xi32, #tpu.memory_space<vmem>> -> memref<1x128xi32, #tpu.memory_space<vmem>>
    %dma_wait3A_167 = tpu.memref_squeeze %dma_wait3A_166 : memref<1x128xi32, #tpu.memory_space<vmem>> -> memref<128xi32, #tpu.memory_space<vmem>>
    %dma_wait3A_168 = tpu.memref_slice %arg3[%dma_wait3A, %add3A_162] : memref<2x320000xi32, #tpu.memory_space<hbm>> -> memref<1x128xi32, #tpu.memory_space<hbm>>
    %dma_wait3A_169 = tpu.memref_squeeze %dma_wait3A_168 : memref<1x128xi32, #tpu.memory_space<hbm>> -> memref<128xi32, #tpu.memory_space<hbm>>
    %dma_wait3A_170 = tpu.memref_slice %arg11[%dma_wait3A_164] : memref<5x!tpu.dma_semaphore, #tpu.memory_space<semaphore_mem>> -> memref<1x!tpu.dma_semaphore, #tpu.memory_space<semaphore_mem>>
    %dma_wait3A_171 = tpu.memref_squeeze %dma_wait3A_170 : memref<1x!tpu.dma_semaphore, #tpu.memory_space<semaphore_mem>> -> memref<!tpu.dma_semaphore, #tpu.memory_space<semaphore_mem>>
    %dma_wait3A_172 = arith.constant 0 : i32
    %dma_wait3A_173 = tpu.memref_slice %arg8[%dma_wait3A_163, %dma_wait3A_172] : memref<5x128xi32, #tpu.memory_space<vmem>> -> memref<1x128xi32, #tpu.memory_space<vmem>>
    %dma_wait3A_174 = tpu.memref_squeeze %dma_wait3A_173 : memref<1x128xi32, #tpu.memory_space<vmem>> -> memref<128xi32, #tpu.memory_space<vmem>>
    %dma_wait3A_175 = tpu.memref_slice %arg3[%dma_wait3A, %add3A_162] : memref<2x320000xi32, #tpu.memory_space<hbm>> -> memref<1x128xi32, #tpu.memory_space<hbm>>
    %dma_wait3A_176 = tpu.memref_squeeze %dma_wait3A_175 : memref<1x128xi32, #tpu.memory_space<hbm>> -> memref<128xi32, #tpu.memory_space<hbm>>
    tpu.wait_dma2 semaphore(%dma_wait3A_171 : memref<!tpu.dma_semaphore, #tpu.memory_space<semaphore_mem>>) src(%dma_wait3A_176 : memref<128xi32, #tpu.memory_space<hbm>>) dst(%dma_wait3A_174 : memref<128xi32, #tpu.memory_space<vmem>>)
    %dma_wait3A_177 = arith.constant 0 : i32
    %dma_wait3A_178 = arith.constant 0 : i32
    %dma_wait3A_179 = arith.constant 0 : i32
    %dma_wait3A_180 = arith.constant 0 : i32
    %dma_wait3A_181 = tpu.memref_slice %arg9[%dma_wait3A_178, %dma_wait3A_180] : memref<5x128xi32, #tpu.memory_space<vmem>> -> memref<1x128xi32, #tpu.memory_space<vmem>>
    %dma_wait3A_182 = tpu.memref_squeeze %dma_wait3A_181 : memref<1x128xi32, #tpu.memory_space<vmem>> -> memref<128xi32, #tpu.memory_space<vmem>>
    %dma_wait3A_183 = tpu.memref_slice %arg3[%dma_wait3A_177, %add3A_162] : memref<2x320000xi32, #tpu.memory_space<hbm>> -> memref<1x128xi32, #tpu.memory_space<hbm>>
    %dma_wait3A_184 = tpu.memref_squeeze %dma_wait3A_183 : memref<1x128xi32, #tpu.memory_space<hbm>> -> memref<128xi32, #tpu.memory_space<hbm>>
    %dma_wait3A_185 = tpu.memref_slice %arg11[%dma_wait3A_179] : memref<5x!tpu.dma_semaphore, #tpu.memory_space<semaphore_mem>> -> memref<1x!tpu.dma_semaphore, #tpu.memory_space<semaphore_mem>>
    %dma_wait3A_186 = tpu.memref_squeeze %dma_wait3A_185 : memref<1x!tpu.dma_semaphore, #tpu.memory_space<semaphore_mem>> -> memref<!tpu.dma_semaphore, #tpu.memory_space<semaphore_mem>>
    %dma_wait3A_187 = arith.constant 0 : i32
    %dma_wait3A_188 = tpu.memref_slice %arg9[%dma_wait3A_178, %dma_wait3A_187] : memref<5x128xi32, #tpu.memory_space<vmem>> -> memref<1x128xi32, #tpu.memory_space<vmem>>
    %dma_wait3A_189 = tpu.memref_squeeze %dma_wait3A_188 : memref<1x128xi32, #tpu.memory_space<vmem>> -> memref<128xi32, #tpu.memory_space<vmem>>
    %dma_wait3A_190 = tpu.memref_slice %arg3[%dma_wait3A_177, %add3A_162] : memref<2x320000xi32, #tpu.memory_space<hbm>> -> memref<1x128xi32, #tpu.memory_space<hbm>>
    %dma_wait3A_191 = tpu.memref_squeeze %dma_wait3A_190 : memref<1x128xi32, #tpu.memory_space<hbm>> -> memref<128xi32, #tpu.memory_space<hbm>>
    tpu.wait_dma2 semaphore(%dma_wait3A_186 : memref<!tpu.dma_semaphore, #tpu.memory_space<semaphore_mem>>) src(%dma_wait3A_191 : memref<128xi32, #tpu.memory_space<hbm>>) dst(%dma_wait3A_189 : memref<128xi32, #tpu.memory_space<vmem>>)
    %dma_start3A_192 = arith.constant 0 : i32
    %dma_start3A_193 = arith.constant 0 : i32
    %dma_start3A_194 = arith.constant 0 : i32
    %dma_start3A_195 = arith.constant 0 : i32
    %dma_start3A_196 = arith.constant 0 : i32
    %dma_start3A_197 = tpu.memref_slice %arg10[%dma_start3A_193, %dma_start3A_195, %dma_start3A_196] : memref<2x128x128xf32, #tpu.memory_space<vmem>> -> memref<1x128x128xf32, #tpu.memory_space<vmem>>
    %dma_start3A_198 = tpu.memref_squeeze %dma_start3A_197 : memref<1x128x128xf32, #tpu.memory_space<vmem>> -> memref<128x128xf32, #tpu.memory_space<vmem>>
    %dma_start3A_199 = arith.constant 0 : i32
    %dma_start3A_200 = tpu.memref_slice %arg8[%dma_start3A_192, %dma_start3A_199] : memref<5x128xi32, #tpu.memory_space<vmem>> -> memref<1x128xi32, #tpu.memory_space<vmem>>
    %dma_start3A_201 = tpu.memref_squeeze %dma_start3A_200 : memref<1x128xi32, #tpu.memory_space<vmem>> -> memref<128xi32, #tpu.memory_space<vmem>>
    %dma_start3A_202 = arith.constant 0 : i32
    %dma_start3A_203 = arith.constant 0 : i32
    %dma_start3A_204 = tpu.memref_slice %arg2[%dma_start3A_202, %dma_start3A_203] : memref<10000x128xf32, #tpu.memory_space<hbm>> -> memref<10000x128xf32, #tpu.memory_space<hbm>>
    %dma_start3A_205 = tpu.memref_slice %arg12[%dma_start3A_194] : memref<2x!tpu.dma_semaphore, #tpu.memory_space<semaphore_mem>> -> memref<1x!tpu.dma_semaphore, #tpu.memory_space<semaphore_mem>>
    %dma_start3A_206 = tpu.memref_squeeze %dma_start3A_205 : memref<1x!tpu.dma_semaphore, #tpu.memory_space<semaphore_mem>> -> memref<!tpu.dma_semaphore, #tpu.memory_space<semaphore_mem>>
    tpu.enqueue_indirect_dma source(%dma_start3A_204 : memref<10000x128xf32, #tpu.memory_space<hbm>>) target(%dma_start3A_198 : memref<128x128xf32, #tpu.memory_space<vmem>>) offsets(%dma_start3A_201 : memref<128xi32, #tpu.memory_space<vmem>>) semaphore(%dma_start3A_206 : memref<!tpu.dma_semaphore, #tpu.memory_space<semaphore_mem>>)
    %add3A_207 = arith.constant 16 : i32
    %add3A_208 = arith.addi %add3A_207, %arg1 : i32
    %lt3A_209 = arith.constant 1250 : i32
    %lt3A_210 = arith.cmpi slt, %add3A_208, %lt3A_209 : i32
    %jit3A_211 = arith.constant 0 : i32
    %select_n3A_212 = arith.select %lt3A_210, %add3A_208, %jit3A_211 : i32
    %mul3A_213 = arith.constant 128 : i32
    %mul3A_214 = arith.muli %select_n3A_212, %mul3A_213 : i32
    %add3A_215 = arith.addi %mul3A_0, %mul3A_214 : i32
    %dma_wait3A_216 = arith.constant 1 : i32
    %dma_wait3A_217 = arith.constant 1 : i32
    %dma_wait3A_218 = arith.constant 1 : i32
    %dma_wait3A_219 = arith.constant 0 : i32
    %dma_wait3A_220 = tpu.memref_slice %arg8[%dma_wait3A_217, %dma_wait3A_219] : memref<5x128xi32, #tpu.memory_space<vmem>> -> memref<1x128xi32, #tpu.memory_space<vmem>>
    %dma_wait3A_221 = tpu.memref_squeeze %dma_wait3A_220 : memref<1x128xi32, #tpu.memory_space<vmem>> -> memref<128xi32, #tpu.memory_space<vmem>>
    %dma_wait3A_222 = tpu.memref_slice %arg3[%dma_wait3A_216, %add3A_215] : memref<2x320000xi32, #tpu.memory_space<hbm>> -> memref<1x128xi32, #tpu.memory_space<hbm>>
    %dma_wait3A_223 = tpu.memref_squeeze %dma_wait3A_222 : memref<1x128xi32, #tpu.memory_space<hbm>> -> memref<128xi32, #tpu.memory_space<hbm>>
    %dma_wait3A_224 = tpu.memref_slice %arg11[%dma_wait3A_218] : memref<5x!tpu.dma_semaphore, #tpu.memory_space<semaphore_mem>> -> memref<1x!tpu.dma_semaphore, #tpu.memory_space<semaphore_mem>>
    %dma_wait3A_225 = tpu.memref_squeeze %dma_wait3A_224 : memref<1x!tpu.dma_semaphore, #tpu.memory_space<semaphore_mem>> -> memref<!tpu.dma_semaphore, #tpu.memory_space<semaphore_mem>>
    %dma_wait3A_226 = arith.constant 0 : i32
    %dma_wait3A_227 = tpu.memref_slice %arg8[%dma_wait3A_217, %dma_wait3A_226] : memref<5x128xi32, #tpu.memory_space<vmem>> -> memref<1x128xi32, #tpu.memory_space<vmem>>
    %dma_wait3A_228 = tpu.memref_squeeze %dma_wait3A_227 : memref<1x128xi32, #tpu.memory_space<vmem>> -> memref<128xi32, #tpu.memory_space<vmem>>
    %dma_wait3A_229 = tpu.memref_slice %arg3[%dma_wait3A_216, %add3A_215] : memref<2x320000xi32, #tpu.memory_space<hbm>> -> memref<1x128xi32, #tpu.memory_space<hbm>>
    %dma_wait3A_230 = tpu.memref_squeeze %dma_wait3A_229 : memref<1x128xi32, #tpu.memory_space<hbm>> -> memref<128xi32, #tpu.memory_space<hbm>>
    tpu.wait_dma2 semaphore(%dma_wait3A_225 : memref<!tpu.dma_semaphore, #tpu.memory_space<semaphore_mem>>) src(%dma_wait3A_230 : memref<128xi32, #tpu.memory_space<hbm>>) dst(%dma_wait3A_228 : memref<128xi32, #tpu.memory_space<vmem>>)
    %dma_wait3A_231 = arith.constant 0 : i32
    %dma_wait3A_232 = arith.constant 1 : i32
    %dma_wait3A_233 = arith.constant 1 : i32
    %dma_wait3A_234 = arith.constant 0 : i32
    %dma_wait3A_235 = tpu.memref_slice %arg9[%dma_wait3A_232, %dma_wait3A_234] : memref<5x128xi32, #tpu.memory_space<vmem>> -> memref<1x128xi32, #tpu.memory_space<vmem>>
    %dma_wait3A_236 = tpu.memref_squeeze %dma_wait3A_235 : memref<1x128xi32, #tpu.memory_space<vmem>> -> memref<128xi32, #tpu.memory_space<vmem>>
    %dma_wait3A_237 = tpu.memref_slice %arg3[%dma_wait3A_231, %add3A_215] : memref<2x320000xi32, #tpu.memory_space<hbm>> -> memref<1x128xi32, #tpu.memory_space<hbm>>
    %dma_wait3A_238 = tpu.memref_squeeze %dma_wait3A_237 : memref<1x128xi32, #tpu.memory_space<hbm>> -> memref<128xi32, #tpu.memory_space<hbm>>
    %dma_wait3A_239 = tpu.memref_slice %arg11[%dma_wait3A_233] : memref<5x!tpu.dma_semaphore, #tpu.memory_space<semaphore_mem>> -> memref<1x!tpu.dma_semaphore, #tpu.memory_space<semaphore_mem>>
    %dma_wait3A_240 = tpu.memref_squeeze %dma_wait3A_239 : memref<1x!tpu.dma_semaphore, #tpu.memory_space<semaphore_mem>> -> memref<!tpu.dma_semaphore, #tpu.memory_space<semaphore_mem>>
    %dma_wait3A_241 = arith.constant 0 : i32
    %dma_wait3A_242 = tpu.memref_slice %arg9[%dma_wait3A_232, %dma_wait3A_241] : memref<5x128xi32, #tpu.memory_space<vmem>> -> memref<1x128xi32, #tpu.memory_space<vmem>>
    %dma_wait3A_243 = tpu.memref_squeeze %dma_wait3A_242 : memref<1x128xi32, #tpu.memory_space<vmem>> -> memref<128xi32, #tpu.memory_space<vmem>>
    %dma_wait3A_244 = tpu.memref_slice %arg3[%dma_wait3A_231, %add3A_215] : memref<2x320000xi32, #tpu.memory_space<hbm>> -> memref<1x128xi32, #tpu.memory_space<hbm>>
    %dma_wait3A_245 = tpu.memref_squeeze %dma_wait3A_244 : memref<1x128xi32, #tpu.memory_space<hbm>> -> memref<128xi32, #tpu.memory_space<hbm>>
    tpu.wait_dma2 semaphore(%dma_wait3A_240 : memref<!tpu.dma_semaphore, #tpu.memory_space<semaphore_mem>>) src(%dma_wait3A_245 : memref<128xi32, #tpu.memory_space<hbm>>) dst(%dma_wait3A_243 : memref<128xi32, #tpu.memory_space<vmem>>)
    %dma_start3A_246 = arith.constant 1 : i32
    %dma_start3A_247 = arith.constant 1 : i32
    %dma_start3A_248 = arith.constant 1 : i32
    %dma_start3A_249 = arith.constant 0 : i32
    %dma_start3A_250 = arith.constant 0 : i32
    %dma_start3A_251 = tpu.memref_slice %arg10[%dma_start3A_247, %dma_start3A_249, %dma_start3A_250] : memref<2x128x128xf32, #tpu.memory_space<vmem>> -> memref<1x128x128xf32, #tpu.memory_space<vmem>>
    %dma_start3A_252 = tpu.memref_squeeze %dma_start3A_251 : memref<1x128x128xf32, #tpu.memory_space<vmem>> -> memref<128x128xf32, #tpu.memory_space<vmem>>
    %dma_start3A_253 = arith.constant 0 : i32
    %dma_start3A_254 = tpu.memref_slice %arg8[%dma_start3A_246, %dma_start3A_253] : memref<5x128xi32, #tpu.memory_space<vmem>> -> memref<1x128xi32, #tpu.memory_space<vmem>>
    %dma_start3A_255 = tpu.memref_squeeze %dma_start3A_254 : memref<1x128xi32, #tpu.memory_space<vmem>> -> memref<128xi32, #tpu.memory_space<vmem>>
    %dma_start3A_256 = arith.constant 0 : i32
    %dma_start3A_257 = arith.constant 0 : i32
    %dma_start3A_258 = tpu.memref_slice %arg2[%dma_start3A_256, %dma_start3A_257] : memref<10000x128xf32, #tpu.memory_space<hbm>> -> memref<10000x128xf32, #tpu.memory_space<hbm>>
    %dma_start3A_259 = tpu.memref_slice %arg12[%dma_start3A_248] : memref<2x!tpu.dma_semaphore, #tpu.memory_space<semaphore_mem>> -> memref<1x!tpu.dma_semaphore, #tpu.memory_space<semaphore_mem>>
    %dma_start3A_260 = tpu.memref_squeeze %dma_start3A_259 : memref<1x!tpu.dma_semaphore, #tpu.memory_space<semaphore_mem>> -> memref<!tpu.dma_semaphore, #tpu.memory_space<semaphore_mem>>
    tpu.enqueue_indirect_dma source(%dma_start3A_258 : memref<10000x128xf32, #tpu.memory_space<hbm>>) target(%dma_start3A_252 : memref<128x128xf32, #tpu.memory_space<vmem>>) offsets(%dma_start3A_255 : memref<128xi32, #tpu.memory_space<vmem>>) semaphore(%dma_start3A_260 : memref<!tpu.dma_semaphore, #tpu.memory_space<semaphore_mem>>)
    %dma_wait3A_261 = arith.constant 0 : i32
    %dma_wait3A_262 = arith.constant 0 : i32
    %dma_wait3A_263 = arith.constant 0 : i32
    %dma_wait3A_264 = arith.constant 0 : i32
    %dma_wait3A_265 = arith.constant 0 : i32
    %dma_wait3A_266 = tpu.memref_slice %arg10[%dma_wait3A_262, %dma_wait3A_264, %dma_wait3A_265] : memref<2x128x128xf32, #tpu.memory_space<vmem>> -> memref<1x128x128xf32, #tpu.memory_space<vmem>>
    %dma_wait3A_267 = tpu.memref_squeeze %dma_wait3A_266 : memref<1x128x128xf32, #tpu.memory_space<vmem>> -> memref<128x128xf32, #tpu.memory_space<vmem>>
    %dma_wait3A_268 = arith.constant 0 : i32
    %dma_wait3A_269 = tpu.memref_slice %arg8[%dma_wait3A_261, %dma_wait3A_268] : memref<5x128xi32, #tpu.memory_space<vmem>> -> memref<1x128xi32, #tpu.memory_space<vmem>>
    %dma_wait3A_270 = tpu.memref_squeeze %dma_wait3A_269 : memref<1x128xi32, #tpu.memory_space<vmem>> -> memref<128xi32, #tpu.memory_space<vmem>>
    %dma_wait3A_271 = arith.constant 0 : i32
    %dma_wait3A_272 = arith.constant 0 : i32
    %dma_wait3A_273 = tpu.memref_slice %arg2[%dma_wait3A_271, %dma_wait3A_272] : memref<10000x128xf32, #tpu.memory_space<hbm>> -> memref<10000x128xf32, #tpu.memory_space<hbm>>
    %dma_wait3A_274 = tpu.memref_slice %arg12[%dma_wait3A_263] : memref<2x!tpu.dma_semaphore, #tpu.memory_space<semaphore_mem>> -> memref<1x!tpu.dma_semaphore, #tpu.memory_space<semaphore_mem>>
    %dma_wait3A_275 = tpu.memref_squeeze %dma_wait3A_274 : memref<1x!tpu.dma_semaphore, #tpu.memory_space<semaphore_mem>> -> memref<!tpu.dma_semaphore, #tpu.memory_space<semaphore_mem>>
    tpu.wait_indirect_dma semaphore(%dma_wait3A_275 : memref<!tpu.dma_semaphore, #tpu.memory_space<semaphore_mem>>) src(%dma_wait3A_273 : memref<10000x128xf32, #tpu.memory_space<hbm>>) dst(%dma_wait3A_267 : memref<128x128xf32, #tpu.memory_space<vmem>>)
    %add3A_276 = arith.constant 0 : i32
    %add3A_277 = arith.addi %add3A_276, %arg1 : i32
    %lt3A_278 = arith.constant 1250 : i32
    %lt3A_279 = arith.cmpi slt, %add3A_277, %lt3A_278 : i32
    %jit3A_280 = arith.constant 0 : i32
    %select_n3A_281 = arith.select %lt3A_279, %add3A_277, %jit3A_280 : i32
    %mul3A_282 = arith.constant 128 : i32
    %mul3A_283 = arith.muli %select_n3A_281, %mul3A_282 : i32
    %add3A_284 = arith.addi %mul3A_0, %mul3A_283 : i32
    %convert_element_type3A = arith.extui %lt3A_279 : i1 to i32
    %cond3A = arith.constant 0 : i32
    %cond3A_285 = arith.cmpi ne, %convert_element_type3A, %cond3A : i32
    scf.if %cond3A_285 {
      %dma_start3A_486 = arith.constant 0 : i32
      %dma_start3A_487 = arith.constant 0 : i32
      %dma_start3A_488 = arith.constant 0 : i32
      %dma_start3A_489 = arith.constant 0 : i32
      %dma_start3A_490 = arith.constant 0 : i32
      %dma_start3A_491 = tpu.memref_slice %arg10[%dma_start3A_486, %dma_start3A_489, %dma_start3A_490] : memref<2x128x128xf32, #tpu.memory_space<vmem>> -> memref<1x128x128xf32, #tpu.memory_space<vmem>>
      %dma_start3A_492 = tpu.memref_squeeze %dma_start3A_491 : memref<1x128x128xf32, #tpu.memory_space<vmem>> -> memref<128x128xf32, #tpu.memory_space<vmem>>
      %dma_start3A_493 = arith.constant 0 : i32
      %dma_start3A_494 = tpu.memref_slice %arg9[%dma_start3A_487, %dma_start3A_493] : memref<5x128xi32, #tpu.memory_space<vmem>> -> memref<1x128xi32, #tpu.memory_space<vmem>>
      %dma_start3A_495 = tpu.memref_squeeze %dma_start3A_494 : memref<1x128xi32, #tpu.memory_space<vmem>> -> memref<128xi32, #tpu.memory_space<vmem>>
      %dma_start3A_496 = arith.constant 0 : i32
      %dma_start3A_497 = arith.constant 0 : i32
      %dma_start3A_498 = tpu.memref_slice %arg7[%dma_start3A_496, %dma_start3A_497] : memref<10000x128xf32, #tpu.memory_space<vmem_shared>> -> memref<10000x128xf32, #tpu.memory_space<vmem_shared>>
      %dma_start3A_499 = tpu.memref_slice %arg13[%dma_start3A_488] : memref<2x!tpu.dma_semaphore, #tpu.memory_space<semaphore_mem>> -> memref<1x!tpu.dma_semaphore, #tpu.memory_space<semaphore_mem>>
      %dma_start3A_500 = tpu.memref_squeeze %dma_start3A_499 : memref<1x!tpu.dma_semaphore, #tpu.memory_space<semaphore_mem>> -> memref<!tpu.dma_semaphore, #tpu.memory_space<semaphore_mem>>
      tpu.enqueue_indirect_dma source(%dma_start3A_492 : memref<128x128xf32, #tpu.memory_space<vmem>>) target(%dma_start3A_498 : memref<10000x128xf32, #tpu.memory_space<vmem_shared>>) offsets(%dma_start3A_495 : memref<128xi32, #tpu.memory_space<vmem>>) semaphore(%dma_start3A_500 : memref<!tpu.dma_semaphore, #tpu.memory_space<semaphore_mem>>) {add = true}
    } else {
    }
    %add3A_286 = arith.constant 64 : i32
    %add3A_287 = arith.addi %add3A_286, %arg1 : i32
    %lt3A_288 = arith.constant 1250 : i32
    %lt3A_289 = arith.cmpi slt, %add3A_287, %lt3A_288 : i32
    %jit3A_290 = arith.constant 0 : i32
    %select_n3A_291 = arith.select %lt3A_289, %add3A_287, %jit3A_290 : i32
    %mul3A_292 = arith.constant 128 : i32
    %mul3A_293 = arith.muli %select_n3A_291, %mul3A_292 : i32
    %add3A_294 = arith.addi %mul3A_0, %mul3A_293 : i32
    %dma_start3A_295 = arith.constant 1 : i32
    %dma_start3A_296 = arith.constant 4 : i32
    %dma_start3A_297 = arith.constant 4 : i32
    %dma_start3A_298 = arith.constant 0 : i32
    %dma_start3A_299 = tpu.memref_slice %arg8[%dma_start3A_296, %dma_start3A_298] : memref<5x128xi32, #tpu.memory_space<vmem>> -> memref<1x128xi32, #tpu.memory_space<vmem>>
    %dma_start3A_300 = tpu.memref_squeeze %dma_start3A_299 : memref<1x128xi32, #tpu.memory_space<vmem>> -> memref<128xi32, #tpu.memory_space<vmem>>
    %dma_start3A_301 = tpu.memref_slice %arg3[%dma_start3A_295, %add3A_294] : memref<2x320000xi32, #tpu.memory_space<hbm>> -> memref<1x128xi32, #tpu.memory_space<hbm>>
    %dma_start3A_302 = tpu.memref_squeeze %dma_start3A_301 : memref<1x128xi32, #tpu.memory_space<hbm>> -> memref<128xi32, #tpu.memory_space<hbm>>
    %dma_start3A_303 = tpu.memref_slice %arg11[%dma_start3A_297] : memref<5x!tpu.dma_semaphore, #tpu.memory_space<semaphore_mem>> -> memref<1x!tpu.dma_semaphore, #tpu.memory_space<semaphore_mem>>
    %dma_start3A_304 = tpu.memref_squeeze %dma_start3A_303 : memref<1x!tpu.dma_semaphore, #tpu.memory_space<semaphore_mem>> -> memref<!tpu.dma_semaphore, #tpu.memory_space<semaphore_mem>>
    %dma_start3A_305 = arith.constant 0 : i32
    %dma_start3A_306 = tpu.memref_slice %arg8[%dma_start3A_296, %dma_start3A_305] : memref<5x128xi32, #tpu.memory_space<vmem>> -> memref<1x128xi32, #tpu.memory_space<vmem>>
    %dma_start3A_307 = tpu.memref_squeeze %dma_start3A_306 : memref<1x128xi32, #tpu.memory_space<vmem>> -> memref<128xi32, #tpu.memory_space<vmem>>
    %dma_start3A_308 = tpu.memref_slice %arg3[%dma_start3A_295, %add3A_294] : memref<2x320000xi32, #tpu.memory_space<hbm>> -> memref<1x128xi32, #tpu.memory_space<hbm>>
    %dma_start3A_309 = tpu.memref_squeeze %dma_start3A_308 : memref<1x128xi32, #tpu.memory_space<hbm>> -> memref<128xi32, #tpu.memory_space<hbm>>
    tpu.enqueue_dma source(%dma_start3A_309 : memref<128xi32, #tpu.memory_space<hbm>>) target(%dma_start3A_307 : memref<128xi32, #tpu.memory_space<vmem>>) target_semaphore(%dma_start3A_304 : memref<!tpu.dma_semaphore, #tpu.memory_space<semaphore_mem>>)
    %dma_start3A_310 = arith.constant 0 : i32
    %dma_start3A_311 = arith.constant 4 : i32
    %dma_start3A_312 = arith.constant 4 : i32
    %dma_start3A_313 = arith.constant 0 : i32
    %dma_start3A_314 = tpu.memref_slice %arg9[%dma_start3A_311, %dma_start3A_313] : memref<5x128xi32, #tpu.memory_space<vmem>> -> memref<1x128xi32, #tpu.memory_space<vmem>>
    %dma_start3A_315 = tpu.memref_squeeze %dma_start3A_314 : memref<1x128xi32, #tpu.memory_space<vmem>> -> memref<128xi32, #tpu.memory_space<vmem>>
    %dma_start3A_316 = tpu.memref_slice %arg3[%dma_start3A_310, %add3A_294] : memref<2x320000xi32, #tpu.memory_space<hbm>> -> memref<1x128xi32, #tpu.memory_space<hbm>>
    %dma_start3A_317 = tpu.memref_squeeze %dma_start3A_316 : memref<1x128xi32, #tpu.memory_space<hbm>> -> memref<128xi32, #tpu.memory_space<hbm>>
    %dma_start3A_318 = tpu.memref_slice %arg11[%dma_start3A_312] : memref<5x!tpu.dma_semaphore, #tpu.memory_space<semaphore_mem>> -> memref<1x!tpu.dma_semaphore, #tpu.memory_space<semaphore_mem>>
    %dma_start3A_319 = tpu.memref_squeeze %dma_start3A_318 : memref<1x!tpu.dma_semaphore, #tpu.memory_space<semaphore_mem>> -> memref<!tpu.dma_semaphore, #tpu.memory_space<semaphore_mem>>
    %dma_start3A_320 = arith.constant 0 : i32
    %dma_start3A_321 = tpu.memref_slice %arg9[%dma_start3A_311, %dma_start3A_320] : memref<5x128xi32, #tpu.memory_space<vmem>> -> memref<1x128xi32, #tpu.memory_space<vmem>>
    %dma_start3A_322 = tpu.memref_squeeze %dma_start3A_321 : memref<1x128xi32, #tpu.memory_space<vmem>> -> memref<128xi32, #tpu.memory_space<vmem>>
    %dma_start3A_323 = tpu.memref_slice %arg3[%dma_start3A_310, %add3A_294] : memref<2x320000xi32, #tpu.memory_space<hbm>> -> memref<1x128xi32, #tpu.memory_space<hbm>>
    %dma_start3A_324 = tpu.memref_squeeze %dma_start3A_323 : memref<1x128xi32, #tpu.memory_space<hbm>> -> memref<128xi32, #tpu.memory_space<hbm>>
    tpu.enqueue_dma source(%dma_start3A_324 : memref<128xi32, #tpu.memory_space<hbm>>) target(%dma_start3A_322 : memref<128xi32, #tpu.memory_space<vmem>>) target_semaphore(%dma_start3A_319 : memref<!tpu.dma_semaphore, #tpu.memory_space<semaphore_mem>>)
    %scan3A = arith.constant 0 : i32
    %scan3A_325 = arith.constant 1 : i32
    %scan3A_326 = arith.constant 78 : i32
    %scan3A_327 = arith.addi %scan3A_325, %scan3A_326 : i32
    %scan3A_328 = arith.constant 1 : i32
    scf.for %scan3A_486 = %scan3A_325 to %scan3A_327 step %scan3A_328  : i32 {
      %add3A_487 = arith.constant 2 : i32
      %add3A_488 = arith.addi %scan3A_486, %add3A_487 : i32
      %sub3A = arith.constant 1 : i32
      %sub3A_489 = arith.subi %add3A_488, %sub3A : i32
      %jit3A_490 = arith.constant 5 : i32
      %eq3A_491 = arith.constant 0 : i32
      %eq3A_492 = arith.cmpi eq, %jit3A_490, %eq3A_491 : i32
      %jit3A_493 = arith.constant 1 : i32
      %select_n3A_494 = arith.select %eq3A_492, %jit3A_493, %jit3A_490 : i32
      %rem3A = arith.remsi %sub3A_489, %select_n3A_494 : i32
      %ne3A = arith.constant 0 : i32
      %ne3A_495 = arith.cmpi ne, %rem3A, %ne3A : i32
      %lt3A_496 = arith.constant 0 : i32
      %lt3A_497 = arith.cmpi slt, %rem3A, %lt3A_496 : i32
      %lt3A_498 = arith.constant 0 : i32
      %lt3A_499 = arith.cmpi slt, %select_n3A_494, %lt3A_498 : i32
      %ne3A_500 = arith.xori %lt3A_497, %lt3A_499 : i1
      %and3A = arith.andi %ne3A_500, %ne3A_495 : i1
      %add3A_501 = arith.addi %rem3A, %select_n3A_494 : i32
      %select_n3A_502 = arith.select %and3A, %add3A_501, %rem3A : i32
      %mul3A_503 = arith.constant 16 : i32
      %mul3A_504 = arith.muli %sub3A_489, %mul3A_503 : i32
      %add3A_505 = arith.addi %mul3A_504, %arg1 : i32
      %lt3A_506 = arith.constant 1250 : i32
      %lt3A_507 = arith.cmpi slt, %add3A_505, %lt3A_506 : i32
      %jit3A_508 = arith.constant 0 : i32
      %select_n3A_509 = arith.select %lt3A_507, %add3A_505, %jit3A_508 : i32
      %mul3A_510 = arith.constant 128 : i32
      %mul3A_511 = arith.muli %select_n3A_509, %mul3A_510 : i32
      %add3A_512 = arith.addi %mul3A_0, %mul3A_511 : i32
      %dma_wait3A_513 = arith.constant 1 : i32
      %dma_wait3A_514 = arith.constant 0 : i32
      %dma_wait3A_515 = tpu.memref_slice %arg8[%select_n3A_502, %dma_wait3A_514] : memref<5x128xi32, #tpu.memory_space<vmem>> -> memref<1x128xi32, #tpu.memory_space<vmem>>
      %dma_wait3A_516 = tpu.memref_squeeze %dma_wait3A_515 : memref<1x128xi32, #tpu.memory_space<vmem>> -> memref<128xi32, #tpu.memory_space<vmem>>
      %dma_wait3A_517 = tpu.memref_slice %arg3[%dma_wait3A_513, %add3A_512] : memref<2x320000xi32, #tpu.memory_space<hbm>> -> memref<1x128xi32, #tpu.memory_space<hbm>>
      %dma_wait3A_518 = tpu.memref_squeeze %dma_wait3A_517 : memref<1x128xi32, #tpu.memory_space<hbm>> -> memref<128xi32, #tpu.memory_space<hbm>>
      %dma_wait3A_519 = tpu.memref_slice %arg11[%select_n3A_502] : memref<5x!tpu.dma_semaphore, #tpu.memory_space<semaphore_mem>> -> memref<1x!tpu.dma_semaphore, #tpu.memory_space<semaphore_mem>>
      %dma_wait3A_520 = tpu.memref_squeeze %dma_wait3A_519 : memref<1x!tpu.dma_semaphore, #tpu.memory_space<semaphore_mem>> -> memref<!tpu.dma_semaphore, #tpu.memory_space<semaphore_mem>>
      %dma_wait3A_521 = arith.constant 0 : i32
      %dma_wait3A_522 = tpu.memref_slice %arg8[%select_n3A_502, %dma_wait3A_521] : memref<5x128xi32, #tpu.memory_space<vmem>> -> memref<1x128xi32, #tpu.memory_space<vmem>>
      %dma_wait3A_523 = tpu.memref_squeeze %dma_wait3A_522 : memref<1x128xi32, #tpu.memory_space<vmem>> -> memref<128xi32, #tpu.memory_space<vmem>>
      %dma_wait3A_524 = tpu.memref_slice %arg3[%dma_wait3A_513, %add3A_512] : memref<2x320000xi32, #tpu.memory_space<hbm>> -> memref<1x128xi32, #tpu.memory_space<hbm>>
      %dma_wait3A_525 = tpu.memref_squeeze %dma_wait3A_524 : memref<1x128xi32, #tpu.memory_space<hbm>> -> memref<128xi32, #tpu.memory_space<hbm>>
      tpu.wait_dma2 semaphore(%dma_wait3A_520 : memref<!tpu.dma_semaphore, #tpu.memory_space<semaphore_mem>>) src(%dma_wait3A_525 : memref<128xi32, #tpu.memory_space<hbm>>) dst(%dma_wait3A_523 : memref<128xi32, #tpu.memory_space<vmem>>)
      %dma_wait3A_526 = arith.constant 0 : i32
      %dma_wait3A_527 = arith.constant 0 : i32
      %dma_wait3A_528 = tpu.memref_slice %arg9[%select_n3A_502, %dma_wait3A_527] : memref<5x128xi32, #tpu.memory_space<vmem>> -> memref<1x128xi32, #tpu.memory_space<vmem>>
      %dma_wait3A_529 = tpu.memref_squeeze %dma_wait3A_528 : memref<1x128xi32, #tpu.memory_space<vmem>> -> memref<128xi32, #tpu.memory_space<vmem>>
      %dma_wait3A_530 = tpu.memref_slice %arg3[%dma_wait3A_526, %add3A_512] : memref<2x320000xi32, #tpu.memory_space<hbm>> -> memref<1x128xi32, #tpu.memory_space<hbm>>
      %dma_wait3A_531 = tpu.memref_squeeze %dma_wait3A_530 : memref<1x128xi32, #tpu.memory_space<hbm>> -> memref<128xi32, #tpu.memory_space<hbm>>
      %dma_wait3A_532 = tpu.memref_slice %arg11[%select_n3A_502] : memref<5x!tpu.dma_semaphore, #tpu.memory_space<semaphore_mem>> -> memref<1x!tpu.dma_semaphore, #tpu.memory_space<semaphore_mem>>
      %dma_wait3A_533 = tpu.memref_squeeze %dma_wait3A_532 : memref<1x!tpu.dma_semaphore, #tpu.memory_space<semaphore_mem>> -> memref<!tpu.dma_semaphore, #tpu.memory_space<semaphore_mem>>
      %dma_wait3A_534 = arith.constant 0 : i32
      %dma_wait3A_535 = tpu.memref_slice %arg9[%select_n3A_502, %dma_wait3A_534] : memref<5x128xi32, #tpu.memory_space<vmem>> -> memref<1x128xi32, #tpu.memory_space<vmem>>
      %dma_wait3A_536 = tpu.memref_squeeze %dma_wait3A_535 : memref<1x128xi32, #tpu.memory_space<vmem>> -> memref<128xi32, #tpu.memory_space<vmem>>
      %dma_wait3A_537 = tpu.memref_slice %arg3[%dma_wait3A_526, %add3A_512] : memref<2x320000xi32, #tpu.memory_space<hbm>> -> memref<1x128xi32, #tpu.memory_space<hbm>>
      %dma_wait3A_538 = tpu.memref_squeeze %dma_wait3A_537 : memref<1x128xi32, #tpu.memory_space<hbm>> -> memref<128xi32, #tpu.memory_space<hbm>>
      tpu.wait_dma2 semaphore(%dma_wait3A_533 : memref<!tpu.dma_semaphore, #tpu.memory_space<semaphore_mem>>) src(%dma_wait3A_538 : memref<128xi32, #tpu.memory_space<hbm>>) dst(%dma_wait3A_536 : memref<128xi32, #tpu.memory_space<vmem>>)
      %sub3A_539 = arith.constant 1 : i32
      %sub3A_540 = arith.subi %scan3A_486, %sub3A_539 : i32
      %jit3A_541 = arith.constant 5 : i32
      %eq3A_542 = arith.constant 0 : i32
      %eq3A_543 = arith.cmpi eq, %jit3A_541, %eq3A_542 : i32
      %jit3A_544 = arith.constant 1 : i32
      %select_n3A_545 = arith.select %eq3A_543, %jit3A_544, %jit3A_541 : i32
      %rem3A_546 = arith.remsi %sub3A_540, %select_n3A_545 : i32
      %ne3A_547 = arith.constant 0 : i32
      %ne3A_548 = arith.cmpi ne, %rem3A_546, %ne3A_547 : i32
      %lt3A_549 = arith.constant 0 : i32
      %lt3A_550 = arith.cmpi slt, %rem3A_546, %lt3A_549 : i32
      %lt3A_551 = arith.constant 0 : i32
      %lt3A_552 = arith.cmpi slt, %select_n3A_545, %lt3A_551 : i32
      %ne3A_553 = arith.xori %lt3A_550, %lt3A_552 : i1
      %and3A_554 = arith.andi %ne3A_553, %ne3A_548 : i1
      %add3A_555 = arith.addi %rem3A_546, %select_n3A_545 : i32
      %select_n3A_556 = arith.select %and3A_554, %add3A_555, %rem3A_546 : i32
      %jit3A_557 = arith.constant 2 : i32
      %eq3A_558 = arith.constant 0 : i32
      %eq3A_559 = arith.cmpi eq, %jit3A_557, %eq3A_558 : i32
      %jit3A_560 = arith.constant 1 : i32
      %select_n3A_561 = arith.select %eq3A_559, %jit3A_560, %jit3A_557 : i32
      %rem3A_562 = arith.remsi %sub3A_540, %select_n3A_561 : i32
      %ne3A_563 = arith.constant 0 : i32
      %ne3A_564 = arith.cmpi ne, %rem3A_562, %ne3A_563 : i32
      %lt3A_565 = arith.constant 0 : i32
      %lt3A_566 = arith.cmpi slt, %rem3A_562, %lt3A_565 : i32
      %lt3A_567 = arith.constant 0 : i32
      %lt3A_568 = arith.cmpi slt, %select_n3A_561, %lt3A_567 : i32
      %ne3A_569 = arith.xori %lt3A_566, %lt3A_568 : i1
      %and3A_570 = arith.andi %ne3A_569, %ne3A_564 : i1
      %add3A_571 = arith.addi %rem3A_562, %select_n3A_561 : i32
      %select_n3A_572 = arith.select %and3A_570, %add3A_571, %rem3A_562 : i32
      %mul3A_573 = arith.constant 16 : i32
      %mul3A_574 = arith.muli %sub3A_540, %mul3A_573 : i32
      %add3A_575 = arith.addi %mul3A_574, %arg1 : i32
      %lt3A_576 = arith.constant 1250 : i32
      %lt3A_577 = arith.cmpi slt, %add3A_575, %lt3A_576 : i32
      %jit3A_578 = arith.constant 0 : i32
      %select_n3A_579 = arith.select %lt3A_577, %add3A_575, %jit3A_578 : i32
      %mul3A_580 = arith.constant 128 : i32
      %mul3A_581 = arith.muli %select_n3A_579, %mul3A_580 : i32
      %add3A_582 = arith.addi %mul3A_0, %mul3A_581 : i32
      %convert_element_type3A_583 = arith.extui %lt3A_577 : i1 to i32
      %cond3A_584 = arith.constant 0 : i32
      %cond3A_585 = arith.cmpi ne, %convert_element_type3A_583, %cond3A_584 : i32
      scf.if %cond3A_585 {
        %dma_wait3A_775 = arith.constant 0 : i32
        %dma_wait3A_776 = arith.constant 0 : i32
        %dma_wait3A_777 = tpu.memref_slice %arg10[%select_n3A_572, %dma_wait3A_775, %dma_wait3A_776] : memref<2x128x128xf32, #tpu.memory_space<vmem>> -> memref<1x128x128xf32, #tpu.memory_space<vmem>>
        %dma_wait3A_778 = tpu.memref_squeeze %dma_wait3A_777 : memref<1x128x128xf32, #tpu.memory_space<vmem>> -> memref<128x128xf32, #tpu.memory_space<vmem>>
        %dma_wait3A_779 = arith.constant 0 : i32
        %dma_wait3A_780 = tpu.memref_slice %arg9[%select_n3A_556, %dma_wait3A_779] : memref<5x128xi32, #tpu.memory_space<vmem>> -> memref<1x128xi32, #tpu.memory_space<vmem>>
        %dma_wait3A_781 = tpu.memref_squeeze %dma_wait3A_780 : memref<1x128xi32, #tpu.memory_space<vmem>> -> memref<128xi32, #tpu.memory_space<vmem>>
        %dma_wait3A_782 = arith.constant 0 : i32
        %dma_wait3A_783 = arith.constant 0 : i32
        %dma_wait3A_784 = tpu.memref_slice %arg7[%dma_wait3A_782, %dma_wait3A_783] : memref<10000x128xf32, #tpu.memory_space<vmem_shared>> -> memref<10000x128xf32, #tpu.memory_space<vmem_shared>>
        %dma_wait3A_785 = tpu.memref_slice %arg13[%select_n3A_572] : memref<2x!tpu.dma_semaphore, #tpu.memory_space<semaphore_mem>> -> memref<1x!tpu.dma_semaphore, #tpu.memory_space<semaphore_mem>>
        %dma_wait3A_786 = tpu.memref_squeeze %dma_wait3A_785 : memref<1x!tpu.dma_semaphore, #tpu.memory_space<semaphore_mem>> -> memref<!tpu.dma_semaphore, #tpu.memory_space<semaphore_mem>>
        tpu.wait_indirect_dma semaphore(%dma_wait3A_786 : memref<!tpu.dma_semaphore, #tpu.memory_space<semaphore_mem>>) src(%dma_wait3A_778 : memref<128x128xf32, #tpu.memory_space<vmem>>) dst(%dma_wait3A_784 : memref<10000x128xf32, #tpu.memory_space<vmem_shared>>)
      } else {
      }
      %jit3A_586 = arith.constant 5 : i32
      %eq3A_587 = arith.constant 0 : i32
      %eq3A_588 = arith.cmpi eq, %jit3A_586, %eq3A_587 : i32
      %jit3A_589 = arith.constant 1 : i32
      %select_n3A_590 = arith.select %eq3A_588, %jit3A_589, %jit3A_586 : i32
      %rem3A_591 = arith.remsi %sub3A_489, %select_n3A_590 : i32
      %ne3A_592 = arith.constant 0 : i32
      %ne3A_593 = arith.cmpi ne, %rem3A_591, %ne3A_592 : i32
      %lt3A_594 = arith.constant 0 : i32
      %lt3A_595 = arith.cmpi slt, %rem3A_591, %lt3A_594 : i32
      %lt3A_596 = arith.constant 0 : i32
      %lt3A_597 = arith.cmpi slt, %select_n3A_590, %lt3A_596 : i32
      %ne3A_598 = arith.xori %lt3A_595, %lt3A_597 : i1
      %and3A_599 = arith.andi %ne3A_598, %ne3A_593 : i1
      %add3A_600 = arith.addi %rem3A_591, %select_n3A_590 : i32
      %select_n3A_601 = arith.select %and3A_599, %add3A_600, %rem3A_591 : i32
      %jit3A_602 = arith.constant 2 : i32
      %eq3A_603 = arith.constant 0 : i32
      %eq3A_604 = arith.cmpi eq, %jit3A_602, %eq3A_603 : i32
      %jit3A_605 = arith.constant 1 : i32
      %select_n3A_606 = arith.select %eq3A_604, %jit3A_605, %jit3A_602 : i32
      %rem3A_607 = arith.remsi %sub3A_489, %select_n3A_606 : i32
      %ne3A_608 = arith.constant 0 : i32
      %ne3A_609 = arith.cmpi ne, %rem3A_607, %ne3A_608 : i32
      %lt3A_610 = arith.constant 0 : i32
      %lt3A_611 = arith.cmpi slt, %rem3A_607, %lt3A_610 : i32
      %lt3A_612 = arith.constant 0 : i32
      %lt3A_613 = arith.cmpi slt, %select_n3A_606, %lt3A_612 : i32
      %ne3A_614 = arith.xori %lt3A_611, %lt3A_613 : i1
      %and3A_615 = arith.andi %ne3A_614, %ne3A_609 : i1
      %add3A_616 = arith.addi %rem3A_607, %select_n3A_606 : i32
      %select_n3A_617 = arith.select %and3A_615, %add3A_616, %rem3A_607 : i32
      %dma_start3A_618 = arith.constant 0 : i32
      %dma_start3A_619 = arith.constant 0 : i32
      %dma_start3A_620 = tpu.memref_slice %arg10[%select_n3A_617, %dma_start3A_618, %dma_start3A_619] : memref<2x128x128xf32, #tpu.memory_space<vmem>> -> memref<1x128x128xf32, #tpu.memory_space<vmem>>
      %dma_start3A_621 = tpu.memref_squeeze %dma_start3A_620 : memref<1x128x128xf32, #tpu.memory_space<vmem>> -> memref<128x128xf32, #tpu.memory_space<vmem>>
      %dma_start3A_622 = arith.constant 0 : i32
      %dma_start3A_623 = tpu.memref_slice %arg8[%select_n3A_601, %dma_start3A_622] : memref<5x128xi32, #tpu.memory_space<vmem>> -> memref<1x128xi32, #tpu.memory_space<vmem>>
      %dma_start3A_624 = tpu.memref_squeeze %dma_start3A_623 : memref<1x128xi32, #tpu.memory_space<vmem>> -> memref<128xi32, #tpu.memory_space<vmem>>
      %dma_start3A_625 = arith.constant 0 : i32
      %dma_start3A_626 = arith.constant 0 : i32
      %dma_start3A_627 = tpu.memref_slice %arg2[%dma_start3A_625, %dma_start3A_626] : memref<10000x128xf32, #tpu.memory_space<hbm>> -> memref<10000x128xf32, #tpu.memory_space<hbm>>
      %dma_start3A_628 = tpu.memref_slice %arg12[%select_n3A_617] : memref<2x!tpu.dma_semaphore, #tpu.memory_space<semaphore_mem>> -> memref<1x!tpu.dma_semaphore, #tpu.memory_space<semaphore_mem>>
      %dma_start3A_629 = tpu.memref_squeeze %dma_start3A_628 : memref<1x!tpu.dma_semaphore, #tpu.memory_space<semaphore_mem>> -> memref<!tpu.dma_semaphore, #tpu.memory_space<semaphore_mem>>
      tpu.enqueue_indirect_dma source(%dma_start3A_627 : memref<10000x128xf32, #tpu.memory_space<hbm>>) target(%dma_start3A_621 : memref<128x128xf32, #tpu.memory_space<vmem>>) offsets(%dma_start3A_624 : memref<128xi32, #tpu.memory_space<vmem>>) semaphore(%dma_start3A_629 : memref<!tpu.dma_semaphore, #tpu.memory_space<semaphore_mem>>)
      %jit3A_630 = arith.constant 5 : i32
      %eq3A_631 = arith.constant 0 : i32
      %eq3A_632 = arith.cmpi eq, %jit3A_630, %eq3A_631 : i32
      %jit3A_633 = arith.constant 1 : i32
      %select_n3A_634 = arith.select %eq3A_632, %jit3A_633, %jit3A_630 : i32
      %rem3A_635 = arith.remsi %scan3A_486, %select_n3A_634 : i32
      %ne3A_636 = arith.constant 0 : i32
      %ne3A_637 = arith.cmpi ne, %rem3A_635, %ne3A_636 : i32
      %lt3A_638 = arith.constant 0 : i32
      %lt3A_639 = arith.cmpi slt, %rem3A_635, %lt3A_638 : i32
      %lt3A_640 = arith.constant 0 : i32
      %lt3A_641 = arith.cmpi slt, %select_n3A_634, %lt3A_640 : i32
      %ne3A_642 = arith.xori %lt3A_639, %lt3A_641 : i1
      %and3A_643 = arith.andi %ne3A_642, %ne3A_637 : i1
      %add3A_644 = arith.addi %rem3A_635, %select_n3A_634 : i32
      %select_n3A_645 = arith.select %and3A_643, %add3A_644, %rem3A_635 : i32
      %jit3A_646 = arith.constant 2 : i32
      %eq3A_647 = arith.constant 0 : i32
      %eq3A_648 = arith.cmpi eq, %jit3A_646, %eq3A_647 : i32
      %jit3A_649 = arith.constant 1 : i32
      %select_n3A_650 = arith.select %eq3A_648, %jit3A_649, %jit3A_646 : i32
      %rem3A_651 = arith.remsi %scan3A_486, %select_n3A_650 : i32
      %ne3A_652 = arith.constant 0 : i32
      %ne3A_653 = arith.cmpi ne, %rem3A_651, %ne3A_652 : i32
      %lt3A_654 = arith.constant 0 : i32
      %lt3A_655 = arith.cmpi slt, %rem3A_651, %lt3A_654 : i32
      %lt3A_656 = arith.constant 0 : i32
      %lt3A_657 = arith.cmpi slt, %select_n3A_650, %lt3A_656 : i32
      %ne3A_658 = arith.xori %lt3A_655, %lt3A_657 : i1
      %and3A_659 = arith.andi %ne3A_658, %ne3A_653 : i1
      %add3A_660 = arith.addi %rem3A_651, %select_n3A_650 : i32
      %select_n3A_661 = arith.select %and3A_659, %add3A_660, %rem3A_651 : i32
      %dma_wait3A_662 = arith.constant 0 : i32
      %dma_wait3A_663 = arith.constant 0 : i32
      %dma_wait3A_664 = tpu.memref_slice %arg10[%select_n3A_661, %dma_wait3A_662, %dma_wait3A_663] : memref<2x128x128xf32, #tpu.memory_space<vmem>> -> memref<1x128x128xf32, #tpu.memory_space<vmem>>
      %dma_wait3A_665 = tpu.memref_squeeze %dma_wait3A_664 : memref<1x128x128xf32, #tpu.memory_space<vmem>> -> memref<128x128xf32, #tpu.memory_space<vmem>>
      %dma_wait3A_666 = arith.constant 0 : i32
      %dma_wait3A_667 = tpu.memref_slice %arg8[%select_n3A_645, %dma_wait3A_666] : memref<5x128xi32, #tpu.memory_space<vmem>> -> memref<1x128xi32, #tpu.memory_space<vmem>>
      %dma_wait3A_668 = tpu.memref_squeeze %dma_wait3A_667 : memref<1x128xi32, #tpu.memory_space<vmem>> -> memref<128xi32, #tpu.memory_space<vmem>>
      %dma_wait3A_669 = arith.constant 0 : i32
      %dma_wait3A_670 = arith.constant 0 : i32
      %dma_wait3A_671 = tpu.memref_slice %arg2[%dma_wait3A_669, %dma_wait3A_670] : memref<10000x128xf32, #tpu.memory_space<hbm>> -> memref<10000x128xf32, #tpu.memory_space<hbm>>
      %dma_wait3A_672 = tpu.memref_slice %arg12[%select_n3A_661] : memref<2x!tpu.dma_semaphore, #tpu.memory_space<semaphore_mem>> -> memref<1x!tpu.dma_semaphore, #tpu.memory_space<semaphore_mem>>
      %dma_wait3A_673 = tpu.memref_squeeze %dma_wait3A_672 : memref<1x!tpu.dma_semaphore, #tpu.memory_space<semaphore_mem>> -> memref<!tpu.dma_semaphore, #tpu.memory_space<semaphore_mem>>
      tpu.wait_indirect_dma semaphore(%dma_wait3A_673 : memref<!tpu.dma_semaphore, #tpu.memory_space<semaphore_mem>>) src(%dma_wait3A_671 : memref<10000x128xf32, #tpu.memory_space<hbm>>) dst(%dma_wait3A_665 : memref<128x128xf32, #tpu.memory_space<vmem>>)
      %jit3A_674 = arith.constant 5 : i32
      %eq3A_675 = arith.constant 0 : i32
      %eq3A_676 = arith.cmpi eq, %jit3A_674, %eq3A_675 : i32
      %jit3A_677 = arith.constant 1 : i32
      %select_n3A_678 = arith.select %eq3A_676, %jit3A_677, %jit3A_674 : i32
      %rem3A_679 = arith.remsi %scan3A_486, %select_n3A_678 : i32
      %ne3A_680 = arith.constant 0 : i32
      %ne3A_681 = arith.cmpi ne, %rem3A_679, %ne3A_680 : i32
      %lt3A_682 = arith.constant 0 : i32
      %lt3A_683 = arith.cmpi slt, %rem3A_679, %lt3A_682 : i32
      %lt3A_684 = arith.constant 0 : i32
      %lt3A_685 = arith.cmpi slt, %select_n3A_678, %lt3A_684 : i32
      %ne3A_686 = arith.xori %lt3A_683, %lt3A_685 : i1
      %and3A_687 = arith.andi %ne3A_686, %ne3A_681 : i1
      %add3A_688 = arith.addi %rem3A_679, %select_n3A_678 : i32
      %select_n3A_689 = arith.select %and3A_687, %add3A_688, %rem3A_679 : i32
      %jit3A_690 = arith.constant 2 : i32
      %eq3A_691 = arith.constant 0 : i32
      %eq3A_692 = arith.cmpi eq, %jit3A_690, %eq3A_691 : i32
      %jit3A_693 = arith.constant 1 : i32
      %select_n3A_694 = arith.select %eq3A_692, %jit3A_693, %jit3A_690 : i32
      %rem3A_695 = arith.remsi %scan3A_486, %select_n3A_694 : i32
      %ne3A_696 = arith.constant 0 : i32
      %ne3A_697 = arith.cmpi ne, %rem3A_695, %ne3A_696 : i32
      %lt3A_698 = arith.constant 0 : i32
      %lt3A_699 = arith.cmpi slt, %rem3A_695, %lt3A_698 : i32
      %lt3A_700 = arith.constant 0 : i32
      %lt3A_701 = arith.cmpi slt, %select_n3A_694, %lt3A_700 : i32
      %ne3A_702 = arith.xori %lt3A_699, %lt3A_701 : i1
      %and3A_703 = arith.andi %ne3A_702, %ne3A_697 : i1
      %add3A_704 = arith.addi %rem3A_695, %select_n3A_694 : i32
      %select_n3A_705 = arith.select %and3A_703, %add3A_704, %rem3A_695 : i32
      %mul3A_706 = arith.constant 16 : i32
      %mul3A_707 = arith.muli %scan3A_486, %mul3A_706 : i32
      %add3A_708 = arith.addi %mul3A_707, %arg1 : i32
      %lt3A_709 = arith.constant 1250 : i32
      %lt3A_710 = arith.cmpi slt, %add3A_708, %lt3A_709 : i32
      %jit3A_711 = arith.constant 0 : i32
      %select_n3A_712 = arith.select %lt3A_710, %add3A_708, %jit3A_711 : i32
      %mul3A_713 = arith.constant 128 : i32
      %mul3A_714 = arith.muli %select_n3A_712, %mul3A_713 : i32
      %add3A_715 = arith.addi %mul3A_0, %mul3A_714 : i32
      %convert_element_type3A_716 = arith.extui %lt3A_710 : i1 to i32
      %cond3A_717 = arith.constant 0 : i32
      %cond3A_718 = arith.cmpi ne, %convert_element_type3A_716, %cond3A_717 : i32
      scf.if %cond3A_718 {
        %dma_start3A_775 = arith.constant 0 : i32
        %dma_start3A_776 = arith.constant 0 : i32
        %dma_start3A_777 = tpu.memref_slice %arg10[%select_n3A_705, %dma_start3A_775, %dma_start3A_776] : memref<2x128x128xf32, #tpu.memory_space<vmem>> -> memref<1x128x128xf32, #tpu.memory_space<vmem>>
        %dma_start3A_778 = tpu.memref_squeeze %dma_start3A_777 : memref<1x128x128xf32, #tpu.memory_space<vmem>> -> memref<128x128xf32, #tpu.memory_space<vmem>>
        %dma_start3A_779 = arith.constant 0 : i32
        %dma_start3A_780 = tpu.memref_slice %arg9[%select_n3A_689, %dma_start3A_779] : memref<5x128xi32, #tpu.memory_space<vmem>> -> memref<1x128xi32, #tpu.memory_space<vmem>>
        %dma_start3A_781 = tpu.memref_squeeze %dma_start3A_780 : memref<1x128xi32, #tpu.memory_space<vmem>> -> memref<128xi32, #tpu.memory_space<vmem>>
        %dma_start3A_782 = arith.constant 0 : i32
        %dma_start3A_783 = arith.constant 0 : i32
        %dma_start3A_784 = tpu.memref_slice %arg7[%dma_start3A_782, %dma_start3A_783] : memref<10000x128xf32, #tpu.memory_space<vmem_shared>> -> memref<10000x128xf32, #tpu.memory_space<vmem_shared>>
        %dma_start3A_785 = tpu.memref_slice %arg13[%select_n3A_705] : memref<2x!tpu.dma_semaphore, #tpu.memory_space<semaphore_mem>> -> memref<1x!tpu.dma_semaphore, #tpu.memory_space<semaphore_mem>>
        %dma_start3A_786 = tpu.memref_squeeze %dma_start3A_785 : memref<1x!tpu.dma_semaphore, #tpu.memory_space<semaphore_mem>> -> memref<!tpu.dma_semaphore, #tpu.memory_space<semaphore_mem>>
        tpu.enqueue_indirect_dma source(%dma_start3A_778 : memref<128x128xf32, #tpu.memory_space<vmem>>) target(%dma_start3A_784 : memref<10000x128xf32, #tpu.memory_space<vmem_shared>>) offsets(%dma_start3A_781 : memref<128xi32, #tpu.memory_space<vmem>>) semaphore(%dma_start3A_786 : memref<!tpu.dma_semaphore, #tpu.memory_space<semaphore_mem>>) {add = true}
      } else {
      }
      %add3A_719 = arith.constant 5 : i32
      %add3A_720 = arith.addi %scan3A_486, %add3A_719 : i32
      %sub3A_721 = arith.constant 1 : i32
      %sub3A_722 = arith.subi %add3A_720, %sub3A_721 : i32
      %jit3A_723 = arith.constant 5 : i32
      %eq3A_724 = arith.constant 0 : i32
      %eq3A_725 = arith.cmpi eq, %jit3A_723, %eq3A_724 : i32
      %jit3A_726 = arith.constant 1 : i32
      %select_n3A_727 = arith.select %eq3A_725, %jit3A_726, %jit3A_723 : i32
      %rem3A_728 = arith.remsi %sub3A_722, %select_n3A_727 : i32
      %ne3A_729 = arith.constant 0 : i32
      %ne3A_730 = arith.cmpi ne, %rem3A_728, %ne3A_729 : i32
      %lt3A_731 = arith.constant 0 : i32
      %lt3A_732 = arith.cmpi slt, %rem3A_728, %lt3A_731 : i32
      %lt3A_733 = arith.constant 0 : i32
      %lt3A_734 = arith.cmpi slt, %select_n3A_727, %lt3A_733 : i32
      %ne3A_735 = arith.xori %lt3A_732, %lt3A_734 : i1
      %and3A_736 = arith.andi %ne3A_735, %ne3A_730 : i1
      %add3A_737 = arith.addi %rem3A_728, %select_n3A_727 : i32
      %select_n3A_738 = arith.select %and3A_736, %add3A_737, %rem3A_728 : i32
      %mul3A_739 = arith.constant 16 : i32
      %mul3A_740 = arith.muli %sub3A_722, %mul3A_739 : i32
      %add3A_741 = arith.addi %mul3A_740, %arg1 : i32
      %lt3A_742 = arith.constant 1250 : i32
      %lt3A_743 = arith.cmpi slt, %add3A_741, %lt3A_742 : i32
      %jit3A_744 = arith.constant 0 : i32
      %select_n3A_745 = arith.select %lt3A_743, %add3A_741, %jit3A_744 : i32
      %mul3A_746 = arith.constant 128 : i32
      %mul3A_747 = arith.muli %select_n3A_745, %mul3A_746 : i32
      %add3A_748 = arith.addi %mul3A_0, %mul3A_747 : i32
      %dma_start3A_749 = arith.constant 1 : i32
      %dma_start3A_750 = arith.constant 0 : i32
      %dma_start3A_751 = tpu.memref_slice %arg8[%select_n3A_738, %dma_start3A_750] : memref<5x128xi32, #tpu.memory_space<vmem>> -> memref<1x128xi32, #tpu.memory_space<vmem>>
      %dma_start3A_752 = tpu.memref_squeeze %dma_start3A_751 : memref<1x128xi32, #tpu.memory_space<vmem>> -> memref<128xi32, #tpu.memory_space<vmem>>
      %dma_start3A_753 = tpu.memref_slice %arg3[%dma_start3A_749, %add3A_748] : memref<2x320000xi32, #tpu.memory_space<hbm>> -> memref<1x128xi32, #tpu.memory_space<hbm>>
      %dma_start3A_754 = tpu.memref_squeeze %dma_start3A_753 : memref<1x128xi32, #tpu.memory_space<hbm>> -> memref<128xi32, #tpu.memory_space<hbm>>
      %dma_start3A_755 = tpu.memref_slice %arg11[%select_n3A_738] : memref<5x!tpu.dma_semaphore, #tpu.memory_space<semaphore_mem>> -> memref<1x!tpu.dma_semaphore, #tpu.memory_space<semaphore_mem>>
      %dma_start3A_756 = tpu.memref_squeeze %dma_start3A_755 : memref<1x!tpu.dma_semaphore, #tpu.memory_space<semaphore_mem>> -> memref<!tpu.dma_semaphore, #tpu.memory_space<semaphore_mem>>
      %dma_start3A_757 = arith.constant 0 : i32
      %dma_start3A_758 = tpu.memref_slice %arg8[%select_n3A_738, %dma_start3A_757] : memref<5x128xi32, #tpu.memory_space<vmem>> -> memref<1x128xi32, #tpu.memory_space<vmem>>
      %dma_start3A_759 = tpu.memref_squeeze %dma_start3A_758 : memref<1x128xi32, #tpu.memory_space<vmem>> -> memref<128xi32, #tpu.memory_space<vmem>>
      %dma_start3A_760 = tpu.memref_slice %arg3[%dma_start3A_749, %add3A_748] : memref<2x320000xi32, #tpu.memory_space<hbm>> -> memref<1x128xi32, #tpu.memory_space<hbm>>
      %dma_start3A_761 = tpu.memref_squeeze %dma_start3A_760 : memref<1x128xi32, #tpu.memory_space<hbm>> -> memref<128xi32, #tpu.memory_space<hbm>>
      tpu.enqueue_dma source(%dma_start3A_761 : memref<128xi32, #tpu.memory_space<hbm>>) target(%dma_start3A_759 : memref<128xi32, #tpu.memory_space<vmem>>) target_semaphore(%dma_start3A_756 : memref<!tpu.dma_semaphore, #tpu.memory_space<semaphore_mem>>)
      %dma_start3A_762 = arith.constant 0 : i32
      %dma_start3A_763 = arith.constant 0 : i32
      %dma_start3A_764 = tpu.memref_slice %arg9[%select_n3A_738, %dma_start3A_763] : memref<5x128xi32, #tpu.memory_space<vmem>> -> memref<1x128xi32, #tpu.memory_space<vmem>>
      %dma_start3A_765 = tpu.memref_squeeze %dma_start3A_764 : memref<1x128xi32, #tpu.memory_space<vmem>> -> memref<128xi32, #tpu.memory_space<vmem>>
      %dma_start3A_766 = tpu.memref_slice %arg3[%dma_start3A_762, %add3A_748] : memref<2x320000xi32, #tpu.memory_space<hbm>> -> memref<1x128xi32, #tpu.memory_space<hbm>>
      %dma_start3A_767 = tpu.memref_squeeze %dma_start3A_766 : memref<1x128xi32, #tpu.memory_space<hbm>> -> memref<128xi32, #tpu.memory_space<hbm>>
      %dma_start3A_768 = tpu.memref_slice %arg11[%select_n3A_738] : memref<5x!tpu.dma_semaphore, #tpu.memory_space<semaphore_mem>> -> memref<1x!tpu.dma_semaphore, #tpu.memory_space<semaphore_mem>>
      %dma_start3A_769 = tpu.memref_squeeze %dma_start3A_768 : memref<1x!tpu.dma_semaphore, #tpu.memory_space<semaphore_mem>> -> memref<!tpu.dma_semaphore, #tpu.memory_space<semaphore_mem>>
      %dma_start3A_770 = arith.constant 0 : i32
      %dma_start3A_771 = tpu.memref_slice %arg9[%select_n3A_738, %dma_start3A_770] : memref<5x128xi32, #tpu.memory_space<vmem>> -> memref<1x128xi32, #tpu.memory_space<vmem>>
      %dma_start3A_772 = tpu.memref_squeeze %dma_start3A_771 : memref<1x128xi32, #tpu.memory_space<vmem>> -> memref<128xi32, #tpu.memory_space<vmem>>
      %dma_start3A_773 = tpu.memref_slice %arg3[%dma_start3A_762, %add3A_748] : memref<2x320000xi32, #tpu.memory_space<hbm>> -> memref<1x128xi32, #tpu.memory_space<hbm>>
      %dma_start3A_774 = tpu.memref_squeeze %dma_start3A_773 : memref<1x128xi32, #tpu.memory_space<hbm>> -> memref<128xi32, #tpu.memory_space<hbm>>
      tpu.enqueue_dma source(%dma_start3A_774 : memref<128xi32, #tpu.memory_space<hbm>>) target(%dma_start3A_772 : memref<128xi32, #tpu.memory_space<vmem>>) target_semaphore(%dma_start3A_769 : memref<!tpu.dma_semaphore, #tpu.memory_space<semaphore_mem>>)
    }
    %scan3A_329 = arith.constant 78 : i32
    %add3A_330 = arith.constant 1248 : i32
    %add3A_331 = arith.addi %add3A_330, %arg1 : i32
    %lt3A_332 = arith.constant 1250 : i32
    %lt3A_333 = arith.cmpi slt, %add3A_331, %lt3A_332 : i32
    %jit3A_334 = arith.constant 0 : i32
    %select_n3A_335 = arith.select %lt3A_333, %add3A_331, %jit3A_334 : i32
    %mul3A_336 = arith.constant 128 : i32
    %mul3A_337 = arith.muli %select_n3A_335, %mul3A_336 : i32
    %add3A_338 = arith.addi %mul3A_0, %mul3A_337 : i32
    %convert_element_type3A_339 = arith.extui %lt3A_333 : i1 to i32
    %cond3A_340 = arith.constant 0 : i32
    %cond3A_341 = arith.cmpi ne, %convert_element_type3A_339, %cond3A_340 : i32
    scf.if %cond3A_341 {
      %dma_wait3A_486 = arith.constant 0 : i32
      %dma_wait3A_487 = arith.constant 3 : i32
      %dma_wait3A_488 = arith.constant 0 : i32
      %dma_wait3A_489 = arith.constant 0 : i32
      %dma_wait3A_490 = arith.constant 0 : i32
      %dma_wait3A_491 = tpu.memref_slice %arg10[%dma_wait3A_486, %dma_wait3A_489, %dma_wait3A_490] : memref<2x128x128xf32, #tpu.memory_space<vmem>> -> memref<1x128x128xf32, #tpu.memory_space<vmem>>
      %dma_wait3A_492 = tpu.memref_squeeze %dma_wait3A_491 : memref<1x128x128xf32, #tpu.memory_space<vmem>> -> memref<128x128xf32, #tpu.memory_space<vmem>>
      %dma_wait3A_493 = arith.constant 0 : i32
      %dma_wait3A_494 = tpu.memref_slice %arg9[%dma_wait3A_487, %dma_wait3A_493] : memref<5x128xi32, #tpu.memory_space<vmem>> -> memref<1x128xi32, #tpu.memory_space<vmem>>
      %dma_wait3A_495 = tpu.memref_squeeze %dma_wait3A_494 : memref<1x128xi32, #tpu.memory_space<vmem>> -> memref<128xi32, #tpu.memory_space<vmem>>
      %dma_wait3A_496 = arith.constant 0 : i32
      %dma_wait3A_497 = arith.constant 0 : i32
      %dma_wait3A_498 = tpu.memref_slice %arg7[%dma_wait3A_496, %dma_wait3A_497] : memref<10000x128xf32, #tpu.memory_space<vmem_shared>> -> memref<10000x128xf32, #tpu.memory_space<vmem_shared>>
      %dma_wait3A_499 = tpu.memref_slice %arg13[%dma_wait3A_488] : memref<2x!tpu.dma_semaphore, #tpu.memory_space<semaphore_mem>> -> memref<1x!tpu.dma_semaphore, #tpu.memory_space<semaphore_mem>>
      %dma_wait3A_500 = tpu.memref_squeeze %dma_wait3A_499 : memref<1x!tpu.dma_semaphore, #tpu.memory_space<semaphore_mem>> -> memref<!tpu.dma_semaphore, #tpu.memory_space<semaphore_mem>>
      tpu.wait_indirect_dma semaphore(%dma_wait3A_500 : memref<!tpu.dma_semaphore, #tpu.memory_space<semaphore_mem>>) src(%dma_wait3A_492 : memref<128x128xf32, #tpu.memory_space<vmem>>) dst(%dma_wait3A_498 : memref<10000x128xf32, #tpu.memory_space<vmem_shared>>)
    } else {
    }
    %dma_wait3A_342 = arith.constant 4 : i32
    %dma_wait3A_343 = arith.constant 1 : i32
    %dma_wait3A_344 = arith.constant 1 : i32
    %dma_wait3A_345 = arith.constant 0 : i32
    %dma_wait3A_346 = arith.constant 0 : i32
    %dma_wait3A_347 = tpu.memref_slice %arg10[%dma_wait3A_343, %dma_wait3A_345, %dma_wait3A_346] : memref<2x128x128xf32, #tpu.memory_space<vmem>> -> memref<1x128x128xf32, #tpu.memory_space<vmem>>
    %dma_wait3A_348 = tpu.memref_squeeze %dma_wait3A_347 : memref<1x128x128xf32, #tpu.memory_space<vmem>> -> memref<128x128xf32, #tpu.memory_space<vmem>>
    %dma_wait3A_349 = arith.constant 0 : i32
    %dma_wait3A_350 = tpu.memref_slice %arg8[%dma_wait3A_342, %dma_wait3A_349] : memref<5x128xi32, #tpu.memory_space<vmem>> -> memref<1x128xi32, #tpu.memory_space<vmem>>
    %dma_wait3A_351 = tpu.memref_squeeze %dma_wait3A_350 : memref<1x128xi32, #tpu.memory_space<vmem>> -> memref<128xi32, #tpu.memory_space<vmem>>
    %dma_wait3A_352 = arith.constant 0 : i32
    %dma_wait3A_353 = arith.constant 0 : i32
    %dma_wait3A_354 = tpu.memref_slice %arg2[%dma_wait3A_352, %dma_wait3A_353] : memref<10000x128xf32, #tpu.memory_space<hbm>> -> memref<10000x128xf32, #tpu.memory_space<hbm>>
    %dma_wait3A_355 = tpu.memref_slice %arg12[%dma_wait3A_344] : memref<2x!tpu.dma_semaphore, #tpu.memory_space<semaphore_mem>> -> memref<1x!tpu.dma_semaphore, #tpu.memory_space<semaphore_mem>>
    %dma_wait3A_356 = tpu.memref_squeeze %dma_wait3A_355 : memref<1x!tpu.dma_semaphore, #tpu.memory_space<semaphore_mem>> -> memref<!tpu.dma_semaphore, #tpu.memory_space<semaphore_mem>>
    tpu.wait_indirect_dma semaphore(%dma_wait3A_356 : memref<!tpu.dma_semaphore, #tpu.memory_space<semaphore_mem>>) src(%dma_wait3A_354 : memref<10000x128xf32, #tpu.memory_space<hbm>>) dst(%dma_wait3A_348 : memref<128x128xf32, #tpu.memory_space<vmem>>)
    %add3A_357 = arith.constant 1280 : i32
    %add3A_358 = arith.addi %add3A_357, %arg1 : i32
    %lt3A_359 = arith.constant 1250 : i32
    %lt3A_360 = arith.cmpi slt, %add3A_358, %lt3A_359 : i32
    %jit3A_361 = arith.constant 0 : i32
    %select_n3A_362 = arith.select %lt3A_360, %add3A_358, %jit3A_361 : i32
    %mul3A_363 = arith.constant 128 : i32
    %mul3A_364 = arith.muli %select_n3A_362, %mul3A_363 : i32
    %add3A_365 = arith.addi %mul3A_0, %mul3A_364 : i32
    %dma_wait3A_366 = arith.constant 1 : i32
    %dma_wait3A_367 = arith.constant 0 : i32
    %dma_wait3A_368 = arith.constant 0 : i32
    %dma_wait3A_369 = arith.constant 0 : i32
    %dma_wait3A_370 = tpu.memref_slice %arg8[%dma_wait3A_367, %dma_wait3A_369] : memref<5x128xi32, #tpu.memory_space<vmem>> -> memref<1x128xi32, #tpu.memory_space<vmem>>
    %dma_wait3A_371 = tpu.memref_squeeze %dma_wait3A_370 : memref<1x128xi32, #tpu.memory_space<vmem>> -> memref<128xi32, #tpu.memory_space<vmem>>
    %dma_wait3A_372 = tpu.memref_slice %arg3[%dma_wait3A_366, %add3A_365] : memref<2x320000xi32, #tpu.memory_space<hbm>> -> memref<1x128xi32, #tpu.memory_space<hbm>>
    %dma_wait3A_373 = tpu.memref_squeeze %dma_wait3A_372 : memref<1x128xi32, #tpu.memory_space<hbm>> -> memref<128xi32, #tpu.memory_space<hbm>>
    %dma_wait3A_374 = tpu.memref_slice %arg11[%dma_wait3A_368] : memref<5x!tpu.dma_semaphore, #tpu.memory_space<semaphore_mem>> -> memref<1x!tpu.dma_semaphore, #tpu.memory_space<semaphore_mem>>
    %dma_wait3A_375 = tpu.memref_squeeze %dma_wait3A_374 : memref<1x!tpu.dma_semaphore, #tpu.memory_space<semaphore_mem>> -> memref<!tpu.dma_semaphore, #tpu.memory_space<semaphore_mem>>
    %dma_wait3A_376 = arith.constant 0 : i32
    %dma_wait3A_377 = tpu.memref_slice %arg8[%dma_wait3A_367, %dma_wait3A_376] : memref<5x128xi32, #tpu.memory_space<vmem>> -> memref<1x128xi32, #tpu.memory_space<vmem>>
    %dma_wait3A_378 = tpu.memref_squeeze %dma_wait3A_377 : memref<1x128xi32, #tpu.memory_space<vmem>> -> memref<128xi32, #tpu.memory_space<vmem>>
    %dma_wait3A_379 = tpu.memref_slice %arg3[%dma_wait3A_366, %add3A_365] : memref<2x320000xi32, #tpu.memory_space<hbm>> -> memref<1x128xi32, #tpu.memory_space<hbm>>
    %dma_wait3A_380 = tpu.memref_squeeze %dma_wait3A_379 : memref<1x128xi32, #tpu.memory_space<hbm>> -> memref<128xi32, #tpu.memory_space<hbm>>
    tpu.wait_dma2 semaphore(%dma_wait3A_375 : memref<!tpu.dma_semaphore, #tpu.memory_space<semaphore_mem>>) src(%dma_wait3A_380 : memref<128xi32, #tpu.memory_space<hbm>>) dst(%dma_wait3A_378 : memref<128xi32, #tpu.memory_space<vmem>>)
    %dma_wait3A_381 = arith.constant 0 : i32
    %dma_wait3A_382 = arith.constant 0 : i32
    %dma_wait3A_383 = arith.constant 0 : i32
    %dma_wait3A_384 = arith.constant 0 : i32
    %dma_wait3A_385 = tpu.memref_slice %arg9[%dma_wait3A_382, %dma_wait3A_384] : memref<5x128xi32, #tpu.memory_space<vmem>> -> memref<1x128xi32, #tpu.memory_space<vmem>>
    %dma_wait3A_386 = tpu.memref_squeeze %dma_wait3A_385 : memref<1x128xi32, #tpu.memory_space<vmem>> -> memref<128xi32, #tpu.memory_space<vmem>>
    %dma_wait3A_387 = tpu.memref_slice %arg3[%dma_wait3A_381, %add3A_365] : memref<2x320000xi32, #tpu.memory_space<hbm>> -> memref<1x128xi32, #tpu.memory_space<hbm>>
    %dma_wait3A_388 = tpu.memref_squeeze %dma_wait3A_387 : memref<1x128xi32, #tpu.memory_space<hbm>> -> memref<128xi32, #tpu.memory_space<hbm>>
    %dma_wait3A_389 = tpu.memref_slice %arg11[%dma_wait3A_383] : memref<5x!tpu.dma_semaphore, #tpu.memory_space<semaphore_mem>> -> memref<1x!tpu.dma_semaphore, #tpu.memory_space<semaphore_mem>>
    %dma_wait3A_390 = tpu.memref_squeeze %dma_wait3A_389 : memref<1x!tpu.dma_semaphore, #tpu.memory_space<semaphore_mem>> -> memref<!tpu.dma_semaphore, #tpu.memory_space<semaphore_mem>>
    %dma_wait3A_391 = arith.constant 0 : i32
    %dma_wait3A_392 = tpu.memref_slice %arg9[%dma_wait3A_382, %dma_wait3A_391] : memref<5x128xi32, #tpu.memory_space<vmem>> -> memref<1x128xi32, #tpu.memory_space<vmem>>
    %dma_wait3A_393 = tpu.memref_squeeze %dma_wait3A_392 : memref<1x128xi32, #tpu.memory_space<vmem>> -> memref<128xi32, #tpu.memory_space<vmem>>
    %dma_wait3A_394 = tpu.memref_slice %arg3[%dma_wait3A_381, %add3A_365] : memref<2x320000xi32, #tpu.memory_space<hbm>> -> memref<1x128xi32, #tpu.memory_space<hbm>>
    %dma_wait3A_395 = tpu.memref_squeeze %dma_wait3A_394 : memref<1x128xi32, #tpu.memory_space<hbm>> -> memref<128xi32, #tpu.memory_space<hbm>>
    tpu.wait_dma2 semaphore(%dma_wait3A_390 : memref<!tpu.dma_semaphore, #tpu.memory_space<semaphore_mem>>) src(%dma_wait3A_395 : memref<128xi32, #tpu.memory_space<hbm>>) dst(%dma_wait3A_393 : memref<128xi32, #tpu.memory_space<vmem>>)
    %add3A_396 = arith.constant 1296 : i32
    %add3A_397 = arith.addi %add3A_396, %arg1 : i32
    %lt3A_398 = arith.constant 1250 : i32
    %lt3A_399 = arith.cmpi slt, %add3A_397, %lt3A_398 : i32
    %jit3A_400 = arith.constant 0 : i32
    %select_n3A_401 = arith.select %lt3A_399, %add3A_397, %jit3A_400 : i32
    %mul3A_402 = arith.constant 128 : i32
    %mul3A_403 = arith.muli %select_n3A_401, %mul3A_402 : i32
    %add3A_404 = arith.addi %mul3A_0, %mul3A_403 : i32
    %dma_wait3A_405 = arith.constant 1 : i32
    %dma_wait3A_406 = arith.constant 1 : i32
    %dma_wait3A_407 = arith.constant 1 : i32
    %dma_wait3A_408 = arith.constant 0 : i32
    %dma_wait3A_409 = tpu.memref_slice %arg8[%dma_wait3A_406, %dma_wait3A_408] : memref<5x128xi32, #tpu.memory_space<vmem>> -> memref<1x128xi32, #tpu.memory_space<vmem>>
    %dma_wait3A_410 = tpu.memref_squeeze %dma_wait3A_409 : memref<1x128xi32, #tpu.memory_space<vmem>> -> memref<128xi32, #tpu.memory_space<vmem>>
    %dma_wait3A_411 = tpu.memref_slice %arg3[%dma_wait3A_405, %add3A_404] : memref<2x320000xi32, #tpu.memory_space<hbm>> -> memref<1x128xi32, #tpu.memory_space<hbm>>
    %dma_wait3A_412 = tpu.memref_squeeze %dma_wait3A_411 : memref<1x128xi32, #tpu.memory_space<hbm>> -> memref<128xi32, #tpu.memory_space<hbm>>
    %dma_wait3A_413 = tpu.memref_slice %arg11[%dma_wait3A_407] : memref<5x!tpu.dma_semaphore, #tpu.memory_space<semaphore_mem>> -> memref<1x!tpu.dma_semaphore, #tpu.memory_space<semaphore_mem>>
    %dma_wait3A_414 = tpu.memref_squeeze %dma_wait3A_413 : memref<1x!tpu.dma_semaphore, #tpu.memory_space<semaphore_mem>> -> memref<!tpu.dma_semaphore, #tpu.memory_space<semaphore_mem>>
    %dma_wait3A_415 = arith.constant 0 : i32
    %dma_wait3A_416 = tpu.memref_slice %arg8[%dma_wait3A_406, %dma_wait3A_415] : memref<5x128xi32, #tpu.memory_space<vmem>> -> memref<1x128xi32, #tpu.memory_space<vmem>>
    %dma_wait3A_417 = tpu.memref_squeeze %dma_wait3A_416 : memref<1x128xi32, #tpu.memory_space<vmem>> -> memref<128xi32, #tpu.memory_space<vmem>>
    %dma_wait3A_418 = tpu.memref_slice %arg3[%dma_wait3A_405, %add3A_404] : memref<2x320000xi32, #tpu.memory_space<hbm>> -> memref<1x128xi32, #tpu.memory_space<hbm>>
    %dma_wait3A_419 = tpu.memref_squeeze %dma_wait3A_418 : memref<1x128xi32, #tpu.memory_space<hbm>> -> memref<128xi32, #tpu.memory_space<hbm>>
    tpu.wait_dma2 semaphore(%dma_wait3A_414 : memref<!tpu.dma_semaphore, #tpu.memory_space<semaphore_mem>>) src(%dma_wait3A_419 : memref<128xi32, #tpu.memory_space<hbm>>) dst(%dma_wait3A_417 : memref<128xi32, #tpu.memory_space<vmem>>)
    %dma_wait3A_420 = arith.constant 0 : i32
    %dma_wait3A_421 = arith.constant 1 : i32
    %dma_wait3A_422 = arith.constant 1 : i32
    %dma_wait3A_423 = arith.constant 0 : i32
    %dma_wait3A_424 = tpu.memref_slice %arg9[%dma_wait3A_421, %dma_wait3A_423] : memref<5x128xi32, #tpu.memory_space<vmem>> -> memref<1x128xi32, #tpu.memory_space<vmem>>
    %dma_wait3A_425 = tpu.memref_squeeze %dma_wait3A_424 : memref<1x128xi32, #tpu.memory_space<vmem>> -> memref<128xi32, #tpu.memory_space<vmem>>
    %dma_wait3A_426 = tpu.memref_slice %arg3[%dma_wait3A_420, %add3A_404] : memref<2x320000xi32, #tpu.memory_space<hbm>> -> memref<1x128xi32, #tpu.memory_space<hbm>>
    %dma_wait3A_427 = tpu.memref_squeeze %dma_wait3A_426 : memref<1x128xi32, #tpu.memory_space<hbm>> -> memref<128xi32, #tpu.memory_space<hbm>>
    %dma_wait3A_428 = tpu.memref_slice %arg11[%dma_wait3A_422] : memref<5x!tpu.dma_semaphore, #tpu.memory_space<semaphore_mem>> -> memref<1x!tpu.dma_semaphore, #tpu.memory_space<semaphore_mem>>
    %dma_wait3A_429 = tpu.memref_squeeze %dma_wait3A_428 : memref<1x!tpu.dma_semaphore, #tpu.memory_space<semaphore_mem>> -> memref<!tpu.dma_semaphore, #tpu.memory_space<semaphore_mem>>
    %dma_wait3A_430 = arith.constant 0 : i32
    %dma_wait3A_431 = tpu.memref_slice %arg9[%dma_wait3A_421, %dma_wait3A_430] : memref<5x128xi32, #tpu.memory_space<vmem>> -> memref<1x128xi32, #tpu.memory_space<vmem>>
    %dma_wait3A_432 = tpu.memref_squeeze %dma_wait3A_431 : memref<1x128xi32, #tpu.memory_space<vmem>> -> memref<128xi32, #tpu.memory_space<vmem>>
    %dma_wait3A_433 = tpu.memref_slice %arg3[%dma_wait3A_420, %add3A_404] : memref<2x320000xi32, #tpu.memory_space<hbm>> -> memref<1x128xi32, #tpu.memory_space<hbm>>
    %dma_wait3A_434 = tpu.memref_squeeze %dma_wait3A_433 : memref<1x128xi32, #tpu.memory_space<hbm>> -> memref<128xi32, #tpu.memory_space<hbm>>
    tpu.wait_dma2 semaphore(%dma_wait3A_429 : memref<!tpu.dma_semaphore, #tpu.memory_space<semaphore_mem>>) src(%dma_wait3A_434 : memref<128xi32, #tpu.memory_space<hbm>>) dst(%dma_wait3A_432 : memref<128xi32, #tpu.memory_space<vmem>>)
    %add3A_435 = arith.constant 1312 : i32
    %add3A_436 = arith.addi %add3A_435, %arg1 : i32
    %lt3A_437 = arith.constant 1250 : i32
    %lt3A_438 = arith.cmpi slt, %add3A_436, %lt3A_437 : i32
    %jit3A_439 = arith.constant 0 : i32
    %select_n3A_440 = arith.select %lt3A_438, %add3A_436, %jit3A_439 : i32
    %mul3A_441 = arith.constant 128 : i32
    %mul3A_442 = arith.muli %select_n3A_440, %mul3A_441 : i32
    %add3A_443 = arith.addi %mul3A_0, %mul3A_442 : i32
    %dma_wait3A_444 = arith.constant 1 : i32
    %dma_wait3A_445 = arith.constant 2 : i32
    %dma_wait3A_446 = arith.constant 2 : i32
    %dma_wait3A_447 = arith.constant 0 : i32
    %dma_wait3A_448 = tpu.memref_slice %arg8[%dma_wait3A_445, %dma_wait3A_447] : memref<5x128xi32, #tpu.memory_space<vmem>> -> memref<1x128xi32, #tpu.memory_space<vmem>>
    %dma_wait3A_449 = tpu.memref_squeeze %dma_wait3A_448 : memref<1x128xi32, #tpu.memory_space<vmem>> -> memref<128xi32, #tpu.memory_space<vmem>>
    %dma_wait3A_450 = tpu.memref_slice %arg3[%dma_wait3A_444, %add3A_443] : memref<2x320000xi32, #tpu.memory_space<hbm>> -> memref<1x128xi32, #tpu.memory_space<hbm>>
    %dma_wait3A_451 = tpu.memref_squeeze %dma_wait3A_450 : memref<1x128xi32, #tpu.memory_space<hbm>> -> memref<128xi32, #tpu.memory_space<hbm>>
    %dma_wait3A_452 = tpu.memref_slice %arg11[%dma_wait3A_446] : memref<5x!tpu.dma_semaphore, #tpu.memory_space<semaphore_mem>> -> memref<1x!tpu.dma_semaphore, #tpu.memory_space<semaphore_mem>>
    %dma_wait3A_453 = tpu.memref_squeeze %dma_wait3A_452 : memref<1x!tpu.dma_semaphore, #tpu.memory_space<semaphore_mem>> -> memref<!tpu.dma_semaphore, #tpu.memory_space<semaphore_mem>>
    %dma_wait3A_454 = arith.constant 0 : i32
    %dma_wait3A_455 = tpu.memref_slice %arg8[%dma_wait3A_445, %dma_wait3A_454] : memref<5x128xi32, #tpu.memory_space<vmem>> -> memref<1x128xi32, #tpu.memory_space<vmem>>
    %dma_wait3A_456 = tpu.memref_squeeze %dma_wait3A_455 : memref<1x128xi32, #tpu.memory_space<vmem>> -> memref<128xi32, #tpu.memory_space<vmem>>
    %dma_wait3A_457 = tpu.memref_slice %arg3[%dma_wait3A_444, %add3A_443] : memref<2x320000xi32, #tpu.memory_space<hbm>> -> memref<1x128xi32, #tpu.memory_space<hbm>>
    %dma_wait3A_458 = tpu.memref_squeeze %dma_wait3A_457 : memref<1x128xi32, #tpu.memory_space<hbm>> -> memref<128xi32, #tpu.memory_space<hbm>>
    tpu.wait_dma2 semaphore(%dma_wait3A_453 : memref<!tpu.dma_semaphore, #tpu.memory_space<semaphore_mem>>) src(%dma_wait3A_458 : memref<128xi32, #tpu.memory_space<hbm>>) dst(%dma_wait3A_456 : memref<128xi32, #tpu.memory_space<vmem>>)
    %dma_wait3A_459 = arith.constant 0 : i32
    %dma_wait3A_460 = arith.constant 2 : i32
    %dma_wait3A_461 = arith.constant 2 : i32
    %dma_wait3A_462 = arith.constant 0 : i32
    %dma_wait3A_463 = tpu.memref_slice %arg9[%dma_wait3A_460, %dma_wait3A_462] : memref<5x128xi32, #tpu.memory_space<vmem>> -> memref<1x128xi32, #tpu.memory_space<vmem>>
    %dma_wait3A_464 = tpu.memref_squeeze %dma_wait3A_463 : memref<1x128xi32, #tpu.memory_space<vmem>> -> memref<128xi32, #tpu.memory_space<vmem>>
    %dma_wait3A_465 = tpu.memref_slice %arg3[%dma_wait3A_459, %add3A_443] : memref<2x320000xi32, #tpu.memory_space<hbm>> -> memref<1x128xi32, #tpu.memory_space<hbm>>
    %dma_wait3A_466 = tpu.memref_squeeze %dma_wait3A_465 : memref<1x128xi32, #tpu.memory_space<hbm>> -> memref<128xi32, #tpu.memory_space<hbm>>
    %dma_wait3A_467 = tpu.memref_slice %arg11[%dma_wait3A_461] : memref<5x!tpu.dma_semaphore, #tpu.memory_space<semaphore_mem>> -> memref<1x!tpu.dma_semaphore, #tpu.memory_space<semaphore_mem>>
    %dma_wait3A_468 = tpu.memref_squeeze %dma_wait3A_467 : memref<1x!tpu.dma_semaphore, #tpu.memory_space<semaphore_mem>> -> memref<!tpu.dma_semaphore, #tpu.memory_space<semaphore_mem>>
    %dma_wait3A_469 = arith.constant 0 : i32
    %dma_wait3A_470 = tpu.memref_slice %arg9[%dma_wait3A_460, %dma_wait3A_469] : memref<5x128xi32, #tpu.memory_space<vmem>> -> memref<1x128xi32, #tpu.memory_space<vmem>>
    %dma_wait3A_471 = tpu.memref_squeeze %dma_wait3A_470 : memref<1x128xi32, #tpu.memory_space<vmem>> -> memref<128xi32, #tpu.memory_space<vmem>>
    %dma_wait3A_472 = tpu.memref_slice %arg3[%dma_wait3A_459, %add3A_443] : memref<2x320000xi32, #tpu.memory_space<hbm>> -> memref<1x128xi32, #tpu.memory_space<hbm>>
    %dma_wait3A_473 = tpu.memref_squeeze %dma_wait3A_472 : memref<1x128xi32, #tpu.memory_space<hbm>> -> memref<128xi32, #tpu.memory_space<hbm>>
    tpu.wait_dma2 semaphore(%dma_wait3A_468 : memref<!tpu.dma_semaphore, #tpu.memory_space<semaphore_mem>>) src(%dma_wait3A_473 : memref<128xi32, #tpu.memory_space<hbm>>) dst(%dma_wait3A_471 : memref<128xi32, #tpu.memory_space<vmem>>)
    %barrier3A_474 = arith.constant 0 : index
    tpu.barrier barrier_id(%barrier3A_474)
    %mul3A_475 = arith.constant 624 : i32
    %mul3A_476 = arith.muli %arg1, %mul3A_475 : i32
    %eq3A = arith.constant 0 : i32
    %eq3A_477 = arith.cmpi eq, %arg0, %eq3A : i32
    %convert_element_type3A_478 = arith.extui %eq3A_477 : i1 to i32
    %cond3A_479 = arith.constant 0 : i32
    %cond3A_480 = arith.cmpi ne, %convert_element_type3A_478, %cond3A_479 : i32
    scf.if %cond3A_480 {
      "tpu.region"() ({
        %run_scoped3A = tpu.sem_alloc : memref<!tpu.dma_semaphore, #tpu.memory_space<semaphore_mem>>
        %dma_start3A_486 = arith.constant 0 : i32
        %dma_start3A_487 = tpu.memref_slice %arg5[%mul3A_476, %dma_start3A_486] : memref<10000x128xf32, #tpu.memory_space<hbm>> -> memref<640x128xf32, #tpu.memory_space<hbm>>
        %dma_start3A_488 = arith.constant 0 : i32
        %dma_start3A_489 = tpu.memref_slice %arg7[%mul3A_476, %dma_start3A_488] : memref<10000x128xf32, #tpu.memory_space<vmem_shared>> -> memref<640x128xf32, #tpu.memory_space<vmem_shared>>
        tpu.enqueue_dma source(%dma_start3A_489 : memref<640x128xf32, #tpu.memory_space<vmem_shared>>) target(%dma_start3A_487 : memref<640x128xf32, #tpu.memory_space<hbm>>) target_semaphore(%run_scoped3A : memref<!tpu.dma_semaphore, #tpu.memory_space<semaphore_mem>>)
        %dma_wait3A_490 = arith.constant 0 : i32
        %dma_wait3A_491 = tpu.memref_slice %arg5[%mul3A_476, %dma_wait3A_490] : memref<10000x128xf32, #tpu.memory_space<hbm>> -> memref<640x128xf32, #tpu.memory_space<hbm>>
        %dma_wait3A_492 = arith.constant 0 : i32
        %dma_wait3A_493 = tpu.memref_slice %arg7[%mul3A_476, %dma_wait3A_492] : memref<10000x128xf32, #tpu.memory_space<vmem_shared>> -> memref<640x128xf32, #tpu.memory_space<vmem_shared>>
        tpu.wait_dma2 semaphore(%run_scoped3A : memref<!tpu.dma_semaphore, #tpu.memory_space<semaphore_mem>>) src(%dma_wait3A_493 : memref<640x128xf32, #tpu.memory_space<vmem_shared>>) dst(%dma_wait3A_491 : memref<640x128xf32, #tpu.memory_space<hbm>>)
        tpu.yield
      }) : () -> ()
    } else {
    }
    %eq3A_481 = arith.constant 1 : i32
    %eq3A_482 = arith.cmpi eq, %arg0, %eq3A_481 : i32
    %convert_element_type3A_483 = arith.extui %eq3A_482 : i1 to i32
    %cond3A_484 = arith.constant 0 : i32
    %cond3A_485 = arith.cmpi ne, %convert_element_type3A_483, %cond3A_484 : i32
    scf.if %cond3A_485 {
      "tpu.region"() ({
        %run_scoped3A = tpu.sem_alloc : memref<!tpu.dma_semaphore, #tpu.memory_space<semaphore_mem>>
        %dma_start3A_486 = arith.constant 0 : i32
        %dma_start3A_487 = tpu.memref_slice %arg6[%mul3A_476, %dma_start3A_486] : memref<10000x128xf32, #tpu.memory_space<hbm>> -> memref<640x128xf32, #tpu.memory_space<hbm>>
        %dma_start3A_488 = arith.constant 0 : i32
        %dma_start3A_489 = tpu.memref_slice %arg7[%mul3A_476, %dma_start3A_488] : memref<10000x128xf32, #tpu.memory_space<vmem_shared>> -> memref<640x128xf32, #tpu.memory_space<vmem_shared>>
        tpu.enqueue_dma source(%dma_start3A_489 : memref<640x128xf32, #tpu.memory_space<vmem_shared>>) target(%dma_start3A_487 : memref<640x128xf32, #tpu.memory_space<hbm>>) target_semaphore(%run_scoped3A : memref<!tpu.dma_semaphore, #tpu.memory_space<semaphore_mem>>)
        %dma_wait3A_490 = arith.constant 0 : i32
        %dma_wait3A_491 = tpu.memref_slice %arg6[%mul3A_476, %dma_wait3A_490] : memref<10000x128xf32, #tpu.memory_space<hbm>> -> memref<640x128xf32, #tpu.memory_space<hbm>>
        %dma_wait3A_492 = arith.constant 0 : i32
        %dma_wait3A_493 = tpu.memref_slice %arg7[%mul3A_476, %dma_wait3A_492] : memref<10000x128xf32, #tpu.memory_space<vmem_shared>> -> memref<640x128xf32, #tpu.memory_space<vmem_shared>>
        tpu.wait_dma2 semaphore(%run_scoped3A : memref<!tpu.dma_semaphore, #tpu.memory_space<semaphore_mem>>) src(%dma_wait3A_493 : memref<640x128xf32, #tpu.memory_space<vmem_shared>>) dst(%dma_wait3A_491 : memref<640x128xf32, #tpu.memory_space<hbm>>)
        tpu.yield
      }) : () -> ()
    } else {
    }
    return
  }
}

module attributes {stable_mosaic.version = 14 : i64} {
  func.func @_merge_body(%arg0: i32, %arg1: memref<5000x128xf32, #tpu.memory_space<vmem>>, %arg2: memref<5000x128xf32, #tpu.memory_space<vmem>>, %arg3: memref<5000x128xf32, #tpu.memory_space<vmem>>) attributes {dimension_semantics = [#tpu.dimension_semantics<arbitrary>], iteration_bounds = array<i64: 2>, scalar_prefetch = 0 : i64, scratch_operands = 0 : i64, tpu.core_type = #tpu.core_type<tc>, window_params = [{transform_indices = @transform_0, window_bounds = array<i64: 5000, 128>}, {transform_indices = @transform_1, window_bounds = array<i64: 5000, 128>}, {transform_indices = @transform_2, window_bounds = array<i64: 5000, 128>}]} {
    %get3A = arith.constant 0 : index
    %get3A_0 = arith.constant 0 : index
    %get3A_1 = vector.load %arg1[%get3A, %get3A_0] : memref<5000x128xf32, #tpu.memory_space<vmem>>, vector<5000x128xf32>
    %get3A_2 = arith.constant 0 : index
    %get3A_3 = arith.constant 0 : index
    %get3A_4 = vector.load %arg2[%get3A_2, %get3A_3] : memref<5000x128xf32, #tpu.memory_space<vmem>>, vector<5000x128xf32>
    %add3A = arith.addf %get3A_1, %get3A_4 : vector<5000x128xf32>
    %swap3A = arith.constant 0 : index
    %swap3A_5 = arith.constant 0 : index
    %swap3A_6 = vector.load %arg3[%swap3A, %swap3A_5] : memref<5000x128xf32, #tpu.memory_space<vmem>>, vector<5000x128xf32>
    tpu.vector_store %arg3[%swap3A, %swap3A_5], %add3A {strides = array<i32>} : memref<5000x128xf32, #tpu.memory_space<vmem>>, vector<5000x128xf32>,
    return
  }
  func.func @transform_0(%arg0: i32) -> (i32, i32) {
    %c0_i32 = arith.constant 0 : i32
    %c0_i32_0 = arith.constant 0 : i32
    return %arg0, %c0_i32 : i32, i32
  }
  func.func @transform_1(%arg0: i32) -> (i32, i32) {
    %c0_i32 = arith.constant 0 : i32
    %c0_i32_0 = arith.constant 0 : i32
    return %arg0, %c0_i32 : i32, i32
  }
  func.func @transform_2(%arg0: i32) -> (i32, i32) {
    %c0_i32 = arith.constant 0 : i32
    %c0_i32_0 = arith.constant 0 : i32
    return %arg0, %c0_i32 : i32, i32
  }
}

</mosaic_0001>

<sc_bundles>
// kernel: kernel.4.cloned.1.call-start
scs
__scs_entry_jumppad:
0x0: {  	(pc) =	sbr.rel $0x88, $3  }
0x1: {  	(tag) =	ssettag $0x0;
	lr =	simm.s32 $0x1  }
0x2: {  	[smem:$0x3F9F] =	sst lr;
	_ =	strace $0xD0000000  }
0x3: {  	_ = 	snop  }
0x4: {  	_ = 	snop  }
0x5: {  	_ = 	snop  }
0x6: {  	_ = 	snop  }
0x7: {  	_ = 	snop  }
__scs_overlays_trampoline_lowered:
0x8: {  	[smem:$0x3FAE] =	sst s0  }
0x9: {  	[smem:$0x3FAF] =	sst s1  }
0xa: {  	[smem:$0x3FB0] =	sst s2  }
0xb: {  	[smem:$0x3FB1] =	sst s3  }
0xc: {  	[smem:$0x3FB2] =	sst s4  }
0xd: {  	[smem:$0x3FB3] =	sst s5  }
0xe: {  	[smem:$0x3FB4] =	sst s6  }
0xf: {  	[smem:$0x3FB5] =	sst s7  }
0x10: {  	[smem:$0x3FB6] =	sst s8  }
0x11: {  	[smem:$0x3FB7] =	sst s9;
	s0 =	simm.s32 @!p0 $0x0  }
0x12: {  	s1 =	sld [smem:$0x3F9D];
	s0 =	simm.s32 @p0 $0x1  }
0x13: {  	[smem:$0x3FB8] =	sst s0;
	s0 =	simm.s32 @!p1 $0x0  }
0x14: {  	s2 =	sld [smem:$0x3F9C];
	s0 =	simm.s32 @p1 $0x1  }
0x15: {  	[smem:$0x3FB9] =	sst s0;
	s0 =	simm.s32 @!p2 $0x0  }
0x16: {  	s3 =	sld [smem:$0x3FDB];
	s0 =	simm.s32 @p2 $0x1  }
0x17: {  	s4 =	simm.s32 $0x1BF5;
	[smem:$0x3FBB] =	sst s0  }
0x18: {  	s0 =	sld [smem:$0x3F9E];
	_ =	swait.ge [sflag:s4], $0x0  }
0x19: {  	s7 =	sld [smem:$0x3F9F]  }
0x1a: {  	s8 =	sadd.s32 $0xFFFFE003, lr  }
0x1b: {  	s9 =	sadd.s32 $0xFFFFFEF7, lr;
	s5 =	simm.s32 $0xFFFFFFFF;
	p2 =	slt.u32 s8, $0xFFFFF086  }
0x1c: {  	p1 =	slt.u32 s9, $0xF7A;
	s5 =	simm.s32 @!p2 $0x0  }
0x1d: {  	s5 =	simm.s32 @p1 $0x1;
	p0 =	seq.s32 s7, s2  }
0x1e: {  	s7 =	smul.u32 @!p0 $0xF7A, s2;
	p2 =	seq.s32 @!p0 s5, $0x0  }
0x1f: {  	s9 =	smul.u32 $0xF7A, s1;
	s8 =	simm.s32 @!p0 $0x1BF5;
	p2 =	por !p2, p0  }
0x20: {  	[sflag:s8] =	ssyncset.s32 @!p0 $0xFFFFF086;
	s6 =	sadd.s32 @!p0 s3, s7;
	s7 =	simm.s32 @!p0 $0x108  }
0x21: {  	s3 =	sadd.s32 s3, s9;
	s6 =	sadd.s32 @!p0 $0x88, s6;
	s7 =	simm.s32 @p2 $0x1082  }
0x22: {  	[simem:s7], [sflag:s8] =	dma.local @!p0 [hbm:s6], $0xF7A  }
0x23: {  	s9 =	sor.u32 $0xD0000000, s2;
	s6 =	simm.s32 $0x108;
	_ =	swait.ge @!p0 [sflag:s8], $0x0  }
0x24: {  	s3 =	sadd.s32 $0x88, s3;
	s6 =	simm.s32 @!p1 $0x1082;
	[sflag:s4] =	ssyncset.s32 $0xFFFFF086  }
0x25: {  	[simem:s6], [sflag:s4] =	dma.local [hbm:s3], $0xF7A  }
0x26: {  	[smem:$0x3F9F] =	sst s1;
	(tag) =	ssettag s2;
	_ =	strace s9  }
0x27: {  	s1 =	sld [smem:$0x3FAF]  }
0x28: {  	s2 =	sld [smem:$0x3FB0]  }
0x29: {  	s4 =	sld [smem:$0x3FB2]  }
0x2a: {  	p0 =	seq.s32 s5, $0x0;
	s5 =	sld [smem:$0x3FB3]  }
0x2b: {  	s6 =	sld [smem:$0x3FB4]  }
0x2c: {  	s7 =	sld [smem:$0x3FB5]  }
0x2d: {  	s3 =	simm.s32 $0x108;
	s8 =	sld [smem:$0x3FB6]  }
0x2e: {  	s3 =	simm.s32 @!p0 $0x1082;
	s9 =	sld [smem:$0x3FB7]  }
0x2f: {  	lr =	sadd.s32 s0, s3;
	s0 =	sld [smem:$0x3FAE]  }
0x30: {  	s3 =	sld [smem:$0x3FB1]  }
0x31: {  	[smem:$0x3FBA] =	sst s10  }
0x32: {  	s10 =	sld [smem:$0x3FB8];
	_ =	sdelay $0x3  }
0x33: {  	p0 =	seq.s32 s10, $0x1;
	s10 =	sld [smem:$0x3FBA];
	_ =	sdelay $0x3  }
0x34: {  	[smem:$0x3FBA] =	sst s10  }
0x35: {  	s10 =	sld [smem:$0x3FB9];
	_ =	sdelay $0x3  }
0x36: {  	p1 =	seq.s32 s10, $0x1;
	s10 =	sld [smem:$0x3FBA];
	_ =	sdelay $0x3  }
0x37: {  	[smem:$0x3FBA] =	sst s10  }
0x38: {  	s10 =	sld [smem:$0x3FBB]  }
0x39: {  	_ = 	snop;
	(pc) =	sbr.ind lr, $3  }
0x3a: {  	_ = 	snop  }
0x3b: {  	_ = 	snop  }
0x3c: {  	p2 =	seq.s32 s10, $0x1;
	s10 =	sld [smem:$0x3FBA]  }
0x3d: {  	_ =	shalt  }
0x3e: {  	_ =	shalt  }
0x3f: {  	_ =	shalt  }
0x40: {  	_ =	shalt  }
0x41: {  	_ =	shalt  }
0x42: {  	_ =	shalt  }
0x43: {  	_ =	shalt  }
0x44: {  	_ =	shalt  }
0x45: {  	_ =	shalt  }
0x46: {  	_ =	shalt  }
0x47: {  	_ =	shalt  }
0x48: {  	_ =	shalt  }
0x49: {  	_ =	shalt  }
0x4a: {  	_ =	shalt  }
0x4b: {  	_ =	shalt  }
0x4c: {  	_ =	shalt  }
0x4d: {  	_ =	shalt  }
0x4e: {  	_ =	shalt  }
0x4f: {  	_ =	shalt  }
0x50: {  	_ =	shalt  }
0x51: {  	_ =	shalt  }
0x52: {  	_ =	shalt  }
0x53: {  	_ =	shalt  }
0x54: {  	_ =	shalt  }
0x55: {  	_ =	shalt  }
0x56: {  	_ =	shalt  }
0x57: {  	_ =	shalt  }
0x58: {  	_ =	shalt  }
0x59: {  	_ =	shalt  }
0x5a: {  	_ =	shalt  }
0x5b: {  	_ =	shalt  }
0x5c: {  	_ =	shalt  }
0x5d: {  	_ =	shalt  }
0x5e: {  	_ =	shalt  }
0x5f: {  	_ =	shalt  }
0x60: {  	_ =	shalt  }
0x61: {  	_ =	shalt  }
0x62: {  	_ =	shalt  }
0x63: {  	_ =	shalt  }
0x64: {  	_ =	shalt  }
0x65: {  	_ =	shalt  }
0x66: {  	_ =	shalt  }
0x67: {  	_ =	shalt  }
0x68: {  	_ =	shalt  }
0x69: {  	_ =	shalt  }
0x6a: {  	_ =	shalt  }
0x6b: {  	_ =	shalt  }
0x6c: {  	_ =	shalt  }
0x6d: {  	_ =	shalt  }
0x6e: {  	_ =	shalt  }
0x6f: {  	_ =	shalt  }
0x70: {  	_ =	shalt  }
0x71: {  	_ =	shalt  }
0x72: {  	_ =	shalt  }
0x73: {  	_ =	shalt  }
0x74: {  	_ =	shalt  }
0x75: {  	_ =	shalt  }
0x76: {  	_ =	shalt  }
0x77: {  	_ =	shalt  }
0x78: {  	_ =	shalt  }
0x79: {  	_ =	shalt  }
0x7a: {  	_ =	shalt  }
0x7b: {  	_ =	shalt  }
0x7c: {  	_ =	shalt  }
0x7d: {  	_ =	shalt  }
0x7e: {  	_ =	shalt  }
0x7f: {  	_ =	shalt  }
0x80: {  	_ =	shalt  }
0x81: {  	_ =	shalt  }
0x82: {  	_ =	shalt  }
0x83: {  	_ =	shalt  }
0x84: {  	_ =	shalt  }
0x85: {  	_ =	shalt  }
0x86: {  	_ =	shalt  }
0x87: {  	_ =	shalt  }
.Lfunc_end0:
.L_simem_size_0:
called_computation_lowered:
.L_overlay_start_0:
0x88: {  	s2 =	sld [smem:$0x3FD9]  }
0x89: {  	s3 =	sld [smem:$0x3FFE];
	_ =	sdelay $0x1  }
0x8a: {  	s1 =	srdreg.scid  }
0x8b: {  	s0 =	sand.u32 $0x1, s1  }
0x8c: {  	s17 =	sshll.u32 s0, $0xA;
	s2 =	sadd.s32 s3, s2  }
0x8d: {  	s2 =	sadd.s32 s2, s17  }
0x8e: {  	[smem:$0x3FC6] =	sst s2  }
0x8f: {  	_ = 	snop  }
0x90: {  	s2 =	sld [smem:$0x3FC9]  }
0x91: {  	s18 =	sld [smem:$0x3FC8]  }
0x92: {  	s4 =	sld [smem:$0x3FD0];
	(tm) =	ssettm $0x1  }
0x93: {  	s5 =	sld [smem:$0x3FFB];
	_ =	sdelay $0x3  }
0x94: {  	_ =	strace s5  }
0x95: {  	s5 =	sld [smem:$0x3FFC];
	_ =	sdelay $0x3  }
0x96: {  	_ =	strace s5  }
0x97: {  	s5 =	sld [smem:$0x3FFD];
	_ =	sdelay $0x3  }
0x98: {  	_ =	strace s5  }
0x99: {  	_ =	strace $0x8FFFFFFF  }
0x9a: {  	s19 =	sld [smem:$0x3FDB];
	_ =	sdelay $0x1  }
0x9b: {  	s6 =	simm.s32 $_scs_section_size  }
0x9c: {  	s7 =	simm.s32 $_size__tile_overlayer_lowered;
	s8 =	simm.s32 $_tile_overlayer_lowered  }
0x9d: {  	s22 =	simm.s32 $0x1BFF;
	s21 =	sshll.u32 s8, $0x1;
	s5 =	sadd.s32 s6, s19  }
0x9e: {  	s9 =	simm.s32 $0x0;
	s20 =	sshll.u32 s7, $0x1;
	s7 =	sadd.s32 s21, s5  }
0x9f: {  	[timem:s9], [sflag:s22] =	dma.local [hbm:s7], s20  }
0xa0: {  	_ =	swait.ge [sflag:s22], s20  }
0xa1: {  	s6 =	ssub.s32 $0x0, s20;
	[sflag:s22] =	ssyncset.done $0x0  }
0xa2: {  	[sflag:s22] =	ssyncadd.s32 s6;
	_ =	sdelay $0x1  }
0xa3: {  	s23 =	simm.s32 $0x1B8B  }
0xa4: {  	_ =	swait.ge [sflag:s23], $0x1  }
0xa5: {  	[sflag:s23] =	ssyncset.done $0x0  }
0xa6: {  	s25 =	simm.s32 $0x1B8E;
	s24 =	sld [smem:$0x3FFE];
	[sflag:s23] =	ssyncadd.s32 $0xFFFFFFFF  }
0xa7: {  	s26 =	simm.s32 $execute0_lowered;
	[smem:$0x3FD2] =	sst s25  }
0xa8: {  	s7 =	sshll.u32 s26, $0x1;
	_ =	strace $0x80000046;
	[dreg:$0x1] =	wrdreg $0xFFFFFFFF  }
0xa9: {  	s28 =	simm.s32 $_size_execute0_lowered;
	s5 =	sadd.s32 s5, s7;
	[dreg:$0x0] =	wrdreg $0x0  }
0xaa: {  	s7 =	sshll.u32 s28, $0x1;
	[dreg:$0x2] =	wrdreg s5  }
0xab: {  	[dreg:$0x3] =	wrdreg s7  }
0xac: {  	[dreg:$0x4] =	wrdreg $0xC0  }
0xad: {  	_ =	task [dreg:s9], $0x5FFFF  }
0xae: {  	[dreg:$0x1] =	wrdreg $0xFFFFFFFF  }
0xaf: {  	[dreg:$0x0] =	wrdreg $0x60  }
0xb0: {  	[dreg:$0x2] =	wrdreg s2  }
0xb1: {  	[dreg:$0x3] =	wrdreg s18  }
0xb2: {  	[dreg:$0x4] =	wrdreg s24  }
0xb3: {  	[dreg:$0x5] =	wrdreg s4  }
0xb4: {  	[dreg:$0x6] =	wrdreg $0x0  }
0xb5: {  	[dreg:$0x7] =	wrdreg $0x9  }
0xb6: {  	_ =	task.clear_ibuf [dreg:s9], $0x8FFFF;
	_ =	strace $0x90000046  }
0xb7: {  	s29 =	simm.s32 $0x9;
	_ =	strace $0x80000048  }
0xb8: {  	_ =	swait.ge [sflag:s29], $0x1  }
0xb9: {  	[sflag:s29] =	ssyncadd.s32 $0xFFFFFFFF  }
0xba: {  	_ =	strace $0x90000048  }
0xbb: {  	_ =	sfence  }
0xbc: {  	s30 =	sld [smem:$0x0];
	_ =	sdelay $0x2  }
0xbd: {  	s31 =	sshll.u32 s1, $0xD;
	s1 =	sshrl.u32 s1, $0x2  }
0xbe: {  	s3 =	sand.u32 $0x4000, s31;
	s1 =	sadd.s32 s1, s30  }
0xbf: {  	s0 =	sor.u32 s3, s0;
	s1 =	sshll.u32 s1, $0x11  }
0xc0: {  	s0 =	sor.u32 s1, s0  }
0xc1: {  	s0 =	sadd.s32 $0x8F2B, s0  }
0xc2: {  	[sflag:s0] =	ssyncadd.remote.s32 $0x1  }
0xc3: {  	_ =	sfence.sel $0xFFFF  }
0xc4: {  	[dreg:$0x0] =	wrdreg $0xFFFFFFFF;
	(pc) =	sbr.abs _section_cstart, $3  }
0xc5: {  	[dreg:$0x1] =	wrdreg $0xFFFFFFFF  }
0xc6: {  	_ =	task.clear_ibuf [dreg:s9], $0x2FFFF;
	_ =	strace $0x9FFFFFFF  }
0xc7: {  	(tm) =	ssettm $0x7FFFFFFF  }
tec
execute0_lowered:
.L_overlay_start_1:
0x0: {  	(tag) =	ssettag $0x1  }
0x1: {  	s1 =	rddreg [dreg:$0x0]  }
0x2: {  	s2 =	rddreg [dreg:$0x1]  }
0x3: {  	s0 =	rddreg [dreg:$0x2]  }
0x4: {  	s6 =	rddreg [dreg:$0x3]  }
0x5: {  	s3 =	rddreg [dreg:$0x4];
	s4 =	simm.s32 $0x0;
	s5 =	srdreg.scid  }
0x6: {  	[smem:$0x7FF] =	sst s4;
	s9 =	sand.u32 $0x1, s5  }
0x7: {  	s26 =	sadd.s32 $0xC00, s0;
	s0 =	sadd.s32 $0x3400, s0;
	s5 =	stileid.u32  }
0x8: {  	_ =	strace $0x80000047;
	[dreg:$0x7] =	wrdreg s26;
	s7 =	smul.u32 $0x27100, s9  }
0x9: {  	s8 =	ssub.s32 $0x2, s9;
	s10 =	smul.u32 $0x4E200, s9;
	s12 =	sshll.u32 s5, $0x8  }
0xa: {  	s13 =	sshll.u32 s5, $0x7;
	s23 =	ssub.s32 $0x4E2, s5;
	p0 =	seq.s32 s9, $0x1  }
0xb: {  	s24 =	smul.u32 $0x2700, s5;
	s11 =	sshrl.u32 s8, $0x1;
	[dreg:$0x6] =	wrdreg s23  }
0xc: {  	s6 =	smov.u32 @p0 s0;
	s11 =	ssub.s32 s8, s11;
	s28 =	sadd.s32 s10, s12  }
0xd: {  	s31 =	sadd.s32 s13, s7;
	s8 =	sadd.s32 $0x10, s2;
	s12 =	sshrl.u32 s28, $0x3  }
0xe: {  	s14 =	sadd.s32 $0x800, s31;
	s17 =	sadd.s32 $0x1000, s31;
	s26 =	smax.u32 s11, $0x1  }
0xf: {  	s18 =	sadd.s32 $0x1800, s31;
	s28 =	sadd.s32 s6, s24;
	[dreg:$0x14] =	wrdreg s26  }
0x10: {  	s10 =	sadd.s32 $0x2000, s31;
	s31 =	sor.u32 $0x2800, s13;
	[dreg:$0x15] =	wrdreg s28  }
0x11: {  	s15 =	sadd.s32 s12, s8;
	[dreg:$0x16] =	wrdreg s31  }
0x12: {  	s12 =	sadd.s32 s2, s12;
	s16 =	sshrl.u32 s14, $0x2;
	[dreg:$0x8] =	wrdreg s15  }
0x13: {  	s29 =	simm.s32 $0x1;
	[dreg:$0x9] =	wrdreg s12;
	s14 =	sadd.s32 s16, s8  }
0x14: {  	s10 =	sshrl.u32 s10, $0x2;
	s12 =	sadd.s32 s2, s16;
	[dreg:$0xa] =	wrdreg s14  }
0x15: {  	s30 =	simm.s32 $0x80;
	s25 =	sadd.s32 s10, s8;
	[dreg:$0xb] =	wrdreg s12  }
0x16: {  	s20 =	sshrl.u32 s18, $0x2;
	s10 =	sadd.s32 s2, s10;
	[dreg:$0x12] =	wrdreg s25  }
0x17: {  	s12 =	sshrl.u32 s17, $0x2;
	s14 =	sadd.s32 s20, s8;
	[dreg:$0x13] =	wrdreg s10  }
0x18: {  	s19 =	smul.u32 $0x4E000, s5;
	s16 =	sadd.s32 s12, s8;
	[dreg:$0xe] =	wrdreg s14  }
0x19: {  	s22 =	sshll.u32 s5, $0x6;
	s12 =	sadd.s32 s2, s12;
	[dreg:$0xc] =	wrdreg s16  }
0x1a: {  	p0 =	sgt.u32 s5, $0x1;
	s14 =	sor.u32 $0x1C0A, s22;
	[dreg:$0xd] =	wrdreg s12  }
0x1b: {  	s21 =	sshrl.u32 s19, $0x2;
	s12 =	sadd.s32 s2, s20;
	[dreg:$0x11] =	wrdreg s14  }
0x1c: {  	s0 =	simm.s32 $0x2;
	[dreg:$0xf] =	wrdreg s12;
	s12 =	sadd.s32 s21, s3  }
0x1d: {  	s11 =	simm.s32 $0x0;
	s15 =	simm.s32 $0xA;
	[dreg:$0x10] =	wrdreg s12  }
.LBB2_1:
0x1e: {  	s6 =	rddreg [dreg:$0x8]  }
0x1f: {  	s24 =	rddreg [dreg:$0x9]  }
0x20: {  	s9 =	simm.s32 $0x13880;
	s25 =	rddreg [dreg:$0xa]  }
0x21: {  	[tilespmem:s9], [sflag:$0x1] =	stream.linear.gather [hbm4b:s6+s4], $0x80, $0x38;
	[tilespmem:$0x1C080] =	vst v63  }
0x22: {  	s10 =	simm.s32 $0x13C80;
	s26 =	rddreg [dreg:$0xb]  }
0x23: {  	[tilespmem:s10], [sflag:$0x1] =	stream.linear.gather [hbm4b:s24+s4], $0x80, $0x38;
	[tilespmem:$0x1C080] =	vst v63  }
0x24: {  	s13 =	simm.s32 $0x13900;
	s17 =	rddreg [dreg:$0xd]  }
0x25: {  	[tilespmem:s13], [sflag:$0x2] =	stream.linear.gather [hbm4b:s25+s4], $0x80, $0x38;
	[tilespmem:$0x1C080] =	vst v63  }
0x26: {  	s12 =	simm.s32 $0x13D00;
	s19 =	rddreg [dreg:$0xe]  }
0x27: {  	[tilespmem:s12], [sflag:$0x2] =	stream.linear.gather [hbm4b:s26+s4], $0x80, $0x38;
	[tilespmem:$0x1C080] =	vst v63  }
0x28: {  	s16 =	simm.s32 $0x13980;
	s12 =	rddreg [dreg:$0xc]  }
0x29: {  	[tilespmem:s16], [sflag:$0x3] =	stream.linear.gather [hbm4b:s12+s4], $0x80, $0x38;
	[tilespmem:$0x1C080] =	vst v63  }
0x2a: {  	s18 =	simm.s32 $0x13D80;
	s21 =	rddreg [dreg:$0xf]  }
0x2b: {  	[tilespmem:s18], [sflag:$0x3] =	stream.linear.gather [hbm4b:s17+s4], $0x80, $0x38;
	[tilespmem:$0x1C080] =	vst v63  }
0x2c: {  	s20 =	simm.s32 $0x13A00;
	s23 =	rddreg [dreg:$0x10]  }
0x2d: {  	[tilespmem:s20], [sflag:$0x4] =	stream.linear.gather [hbm4b:s19+s4], $0x80, $0x38;
	[tilespmem:$0x1C080] =	vst v63  }
0x2e: {  	s22 =	simm.s32 $0x13E00;
	s24 =	rddreg [dreg:$0x7];
	s12 =	sshrl.u32 s23, $0x3  }
0x2f: {  	[tilespmem:s22], [sflag:$0x4] =	stream.linear.gather [hbm4b:s21+s4], $0x80, $0x38;
	[tilespmem:$0x1C080] =	vst v63  }
0x30: {  	[spmem:s12], [sflag:s14] =	dma.local [hbm:s24], $0x2800  }
0x31: {  	_ =	swait.ge [sflag:s15], $0x2800  }
0x32: {  	[sflag:s15] =	ssyncset.done $0x0  }
0x33: {  	[sflag:s15] =	ssyncadd.s32 $0xFFFFD800  }
0x34: {  	[bflag:$0x0] =	sbarrier.arrive $0xFFFF  }
0x35: {  	_ =	swait.ge [sflag:s29], $0x80  }
0x36: {  	[sflag:s29] =	ssyncset.done $0x0  }
0x37: {  	[sflag:s29] =	ssyncadd.s32 $0xFFFFFF80  }
0x38: {  	_ =	swait.ge [sflag:s29], $0x80  }
0x39: {  	[sflag:s29] =	ssyncset.done $0x0  }
0x3a: {  	s25 =	simm.s32 $0x14080;
	[sflag:s29] =	ssyncadd.s32 $0xFFFFFF80  }
0x3b: {  	[tilespmem:s25], [sflag:$0x6] =	stream.indirect.gather [hbm4b:s1+s30], $0x80, s9, s30, $0xb8;
	[tilespmem:$0x1C080] =	vst v63  }
0x3c: {  	_ =	swait.ge [sflag:s0], $0x80  }
0x3d: {  	[sflag:s0] =	ssyncset.done $0x0  }
0x3e: {  	s14 =	simm.s32 $0x2;
	[sflag:s0] =	ssyncadd.s32 $0xFFFFFF80  }
0x3f: {  	s15 =	smul.u32 $0xCD, s14;
	_ =	swait.ge [sflag:s0], $0x80  }
0x40: {  	[sflag:s0] =	ssyncset.done $0x0  }
0x41: {  	s26 =	simm.s32 $0x18080;
	s9 =	sshrl.u32 s15, $0xA;
	[sflag:s0] =	ssyncadd.s32 $0xFFFFFF80  }
0x42: {  	[tilespmem:s26], [sflag:$0x7] =	stream.indirect.gather [hbm4b:s1+s30], $0x80, s13, s30, $0xb8;
	[tilespmem:$0x1C080] =	vst v63  }
0x43: {  	s9 =	sand.u32 $0x3F, s9;
	s13 =	simm.s32 $0x6  }
0x44: {  	s9 =	smul.u32 $0x5, s9;
	_ =	swait.ge [sflag:s13], $0x4000  }
0x45: {  	[sflag:s13] =	ssyncset.done $0x0  }
0x46: {  	s9 =	ssub.s32 $0x2, s9;
	[sflag:s13] =	ssyncadd.s32 $0xFFFFC000  }
0x47: {  	[spmem:s3] =	stream.indirect.scatter.add.f32 [tilespmem:s25], [sflag:$0x8], $0x80, s10, s30, $0xb8;
	[tilespmem:$0x1C080] =	vst v63  }
0x48: {  	s17 =	simm.s32 $0x13A80;
	s9 =	sand.u32 $0xFF, s9;
	s16 =	rddreg [dreg:$0x12]  }
0x49: {  	[tilespmem:s17], [sflag:$0x5] =	stream.linear.gather [hbm4b:s16+s4], $0x80, $0x38;
	[tilespmem:$0x1C080] =	vst v63  }
0x4a: {  	s19 =	simm.s32 $0x13E80;
	s20 =	sadd.s32 $0x1, s9;
	s18 =	rddreg [dreg:$0x13]  }
0x4b: {  	[tilespmem:s19], [sflag:$0x5] =	stream.linear.gather [hbm4b:s18+s4], $0x80, $0x38;
	[tilespmem:$0x1C080] =	vst v63  }
0x4c: {  	_ =	swait.ge [sflag:s20], $0x80  }
0x4d: {  	s31 =	simm.s32 $0x3;
	s21 =	simm.s32 $0x5;
	[sflag:s20] =	ssyncset.done $0x0  }
0x4e: {  	s24 =	smul.u32 $0xCD, s21;
	s17 =	simm.s32 $0x1;
	[sflag:s20] =	ssyncadd.s32 $0xFFFFFF80  }
0x4f: {  	s6 =	sand.u32 $0x1, s14;
	s16 =	sand.u32 $0x1, s17;
	_ =	swait.ge [sflag:s20], $0x80  }
0x50: {  	s23 =	sshll.u32 s6, $0xE;
	s22 =	sxor.u32 $0x1, s16;
	[sflag:s20] =	ssyncset.done $0x0  }
0x51: {  	s9 =	sshll.u32 s9, $0x7;
	s15 =	sor.u32 $0x8, s22;
	[sflag:s20] =	ssyncadd.s32 $0xFFFFFF80  }
0x52: {  	s6 =	sor.u32 $0x6, s6;
	s9 =	sadd.s32 $0x13880, s9;
	_ =	swait.ge [sflag:s15], $0x4000  }
0x53: {  	s13 =	sadd.s32 $0x14080, s23;
	s25 =	sor.u32 $0x6, s16;
	[sflag:s15] =	ssyncset.done $0x0  }
0x54: {  	s19 =	simm.s32 $0x7;
	s18 =	smul.u32 $0xCD, s31;
	[sflag:s15] =	ssyncadd.s32 $0xFFFFC000  }
0x55: {  	[tilespmem:s13], [sflag:s6] =	stream.indirect.gather [hbm4b:s1+s30], $0x80, s9, s30, $0xb8;
	[tilespmem:$0x1C080] =	vst v63  }
0x56: {  	s20 =	sand.u32 $0x1, s31;
	s15 =	simm.s32 $0x60;
	_ =	swait.ge [sflag:s25], $0x4000  }
0x57: {  	s13 =	simm.s32 $0x6;
	s6 =	sshrl.u32 s24, $0xA;
	s26 =	rddreg [dreg:$0x6]  }
0x58: {  	s24 =	sshll.u32 s20, $0xE;
	s10 =	sand.u32 $0x3F, s6;
	s23 =	rddreg [dreg:$0x16]  }
0x59: {  	[sflag:s25] =	ssyncset.done $0x0;
	s10 =	smul.u32 $0x5, s10;
	p1 =	sle.u32 s26, $0x10  }
0x5a: {  	s14 =	sadd.s32 $0x800, s23;
	s26 =	sshrl.u32 s18, $0xA;
	s18 =	smul.u32 @!p1 $0xCD, s17  }
0x5b: {  	s21 =	sshll.u32 @!p1 s16, $0xE;
	s22 =	sand.u32 $0x3F, s26;
	s26 =	sadd.s32 $0x50, s5  }
0x5c: {  	s6 =	sadd.s32 @!p1 $0x14080, s21;
	s9 =	smul.u32 $0x5, s22;
	s18 =	sshrl.u32 @!p1 s18, $0xA  }
0x5d: {  	s21 =	ssub.s32 $0x5, s10;
	p3 =	slt.u32 s26, $0x4E2;
	s18 =	sand.u32 @!p1 $0x3F, s18  }
0x5e: {  	s22 =	simm.s32 @!p1 $0x80;
	s28 =	smul.u32 @!p1 $0x5, s18;
	s18 =	sand.u32 $0xFF, s21  }
.LBB2_2:
0x5f: {  	[sflag:s25] =	ssyncadd.s32 $0xFFFFC000  }
0x60: {  	s23 =	simm.s32 @!p3 $0x0;
	s25 =	sshll.u32 s18, $0x7;
	s17 =	ssub.s32 @!p1 s17, s28  }
0x61: {  	s16 =	sor.u32 @!p1 $0x8, s16;
	s18 =	sadd.s32 $0x1, s18;
	s17 =	sand.u32 @!p1 $0xFF, s17  }
0x62: {  	s9 =	ssub.s32 s31, s9;
	s23 =	sadd.s32 s7, s23;
	s17 =	sshll.u32 @!p1 s17, $0x7  }
0x63: {  	s9 =	sand.u32 $0xFF, s9;
	s23 =	sshrl.u32 s23, $0x2;
	s17 =	sadd.s32 @!p1 $0x13C80, s17  }
0x64: {  	[spmem:s3] =	stream.indirect.scatter.add.f32 @!p1 [tilespmem:s6], [sflag:s16], $0x80, s17, s22, $0xb8;
	[tilespmem:$0x1C080] =	vst v63  }
0x65: {  	s28 =	sadd.s32 $0x13880, s25;
	s31 =	sadd.s32 s23, s8;
	s10 =	sshll.u32 s9, $0x7  }
0x66: {  	[tilespmem:s28], [sflag:s18] =	stream.linear.gather [hbm4b:s31+s4], $0x80, $0x38;
	[tilespmem:$0x1C080] =	vst v63  }
0x67: {  	s9 =	sadd.s32 $0x1, s9;
	s22 =	sadd.s32 $0x13C80, s25;
	s25 =	sadd.s32 s2, s23  }
0x68: {  	[tilespmem:s22], [sflag:s18] =	stream.linear.gather [hbm4b:s25+s4], $0x80, $0x38;
	[tilespmem:$0x1C080] =	vst v63  }
0x69: {  	s21 =	smov.u32 s13;
	_ =	swait.ge [sflag:s9], $0x80  }
0x6a: {  	s13 =	smov.u32 s19;
	s26 =	smov.u32 s15;
	[sflag:s9] =	ssyncset.done $0x0  }
0x6b: {  	s19 =	sadd.s32 $0x1, s19;
	s17 =	sadd.s32 $0xFFFFFFFC, s21;
	[sflag:s9] =	ssyncadd.s32 $0xFFFFFF80  }
0x6c: {  	s15 =	sadd.s32 $0x10, s15;
	s16 =	sand.u32 $0x1, s17;
	_ =	swait.ge [sflag:s9], $0x80  }
0x6d: {  	p2 =	sne.s32 s19, $0x53;
	s22 =	sxor.u32 $0x1, s16;
	[sflag:s9] =	ssyncset.done $0x0  }
0x6e: {  	s6 =	sor.u32 $0x6, s20;
	s20 =	sor.u32 $0x8, s22;
	[sflag:s9] =	ssyncadd.s32 $0xFFFFFF80  }
0x6f: {  	s23 =	smov.u32 s14;
	s31 =	sadd.s32 $0xFFFFFFFD, s13;
	_ =	swait.ge [sflag:s20], $0x4000  }
0x70: {  	s25 =	sor.u32 $0x6, s16;
	s18 =	sadd.s32 $0x14080, s24;
	[sflag:s20] =	ssyncset.done $0x0  }
0x71: {  	s24 =	sadd.s32 $0x13880, s10;
	s10 =	smul.u32 $0xCD, s21;
	[sflag:s20] =	ssyncadd.s32 $0xFFFFC000  }
0x72: {  	[tilespmem:s18], [sflag:s6] =	stream.indirect.gather [hbm4b:s1+s30], $0x80, s24, s30, $0xb8;
	[tilespmem:$0x1C080] =	vst v63  }
0x73: {  	s22 =	sadd.s32 $0xFFFFFFC0, s26;
	s26 =	sadd.s32 s26, s5;
	_ =	swait.ge [sflag:s25], $0x4000  }
0x74: {  	s6 =	sshrl.u32 s10, $0xA;
	s10 =	smul.u32 $0xCD, s31;
	s18 =	rddreg [dreg:$0x6]  }
0x75: {  	s14 =	sadd.s32 $0x800, s14;
	p3 =	slt.u32 s26, $0x4E2;
	p1 =	sge.u32 s22, s18  }
0x76: {  	s20 =	sand.u32 $0x1, s31;
	s22 =	sshrl.u32 s10, $0xA;
	s10 =	smul.u32 @!p1 $0xCD, s17  }
.Ltmp0:
0x77: {  	s9 =	sand.u32 $0x3F, s6;
	s18 =	sshll.u32 @!p1 s16, $0xE;
	(pc) =	sbr.rel @p2 .LBB2_2-.Ltmp0, $4  }
0x78: {  	s24 =	sshll.u32 s20, $0xE;
	s6 =	sadd.s32 @!p1 $0x14080, s18;
	s18 =	smul.u32 $0x5, s9  }
0x79: {  	[sflag:s25] =	ssyncset.done $0x0;
	s22 =	sand.u32 $0x3F, s22;
	s10 =	sshrl.u32 @!p1 s10, $0xA  }
0x7a: {  	s9 =	smul.u32 $0x5, s22;
	s10 =	sand.u32 @!p1 $0x3F, s10;
	s18 =	ssub.s32 s21, s18  }
0x7b: {  	s22 =	simm.s32 @!p1 $0x80;
	s28 =	smul.u32 @!p1 $0x5, s10;
	s18 =	sand.u32 $0xFF, s18  }
0x7c: {  	_ = 	snop  }
0x7d: {  	s10 =	ssub.s32 @!p1 s17, s28  }
0x7e: {  	s10 =	sand.u32 @!p1 $0xFF, s10  }
0x7f: {  	[sflag:s25] =	ssyncadd.s32 $0xFFFFC000;
	s10 =	sshll.u32 @!p1 s10, $0x7  }
0x80: {  	s16 =	sor.u32 @!p1 $0x8, s16;
	s23 =	simm.s32 @!p3 $0x0;
	s10 =	sadd.s32 @!p1 $0x13C80, s10  }
0x81: {  	[spmem:s3] =	stream.indirect.scatter.add.f32 @!p1 [tilespmem:s6], [sflag:s16], $0x80, s10, s22, $0xb8;
	[tilespmem:$0x1C080] =	vst v63  }
0x82: {  	s9 =	ssub.s32 s31, s9;
	s22 =	sadd.s32 s7, s23  }
0x83: {  	s28 =	sadd.s32 $0x1, s18;
	s23 =	sshll.u32 s18, $0x7;
	s6 =	sshrl.u32 s22, $0x2  }
0x84: {  	s9 =	sand.u32 $0xFF, s9;
	s25 =	sadd.s32 $0x13880, s23;
	s26 =	sadd.s32 s6, s8  }
0x85: {  	[tilespmem:s25], [sflag:s28] =	stream.linear.gather [hbm4b:s26+s4], $0x80, $0x38;
	[tilespmem:$0x1C080] =	vst v63  }
0x86: {  	s19 =	sadd.s32 $0x1, s9;
	s10 =	sadd.s32 $0x13C80, s23;
	s6 =	sadd.s32 s2, s6  }
0x87: {  	[tilespmem:s10], [sflag:s28] =	stream.linear.gather [hbm4b:s6+s4], $0x80, $0x38;
	[tilespmem:$0x1C080] =	vst v63  }
0x88: {  	_ =	swait.ge [sflag:s19], $0x80  }
0x89: {  	[sflag:s19] =	ssyncset.done $0x0  }
0x8a: {  	s6 =	sadd.s32 $0xFFFFFFFC, s13;
	[sflag:s19] =	ssyncadd.s32 $0xFFFFFF80  }
0x8b: {  	s10 =	sand.u32 $0x1, s6;
	_ =	swait.ge [sflag:s19], $0x80  }
0x8c: {  	s21 =	sxor.u32 $0x1, s10;
	[sflag:s19] =	ssyncset.done $0x0  }
0x8d: {  	s22 =	sor.u32 $0x8, s21;
	[sflag:s19] =	ssyncadd.s32 $0xFFFFFF80  }
0x8e: {  	s9 =	sshll.u32 s9, $0x7;
	_ =	swait.ge [sflag:s22], $0x4000  }
0x8f: {  	s9 =	sadd.s32 $0x13880, s9;
	s23 =	sor.u32 $0x6, s20;
	[sflag:s22] =	ssyncset.done $0x0  }
0x90: {  	s25 =	sadd.s32 $0x14080, s24;
	s26 =	sor.u32 $0x6, s10;
	[sflag:s22] =	ssyncadd.s32 $0xFFFFC000  }
0x91: {  	[tilespmem:s25], [sflag:s23] =	stream.indirect.gather [hbm4b:s1+s30], $0x80, s9, s30, $0xb8;
	[tilespmem:$0x1C080] =	vst v63  }
0x92: {  	_ =	swait.ge [sflag:s26], $0x4000  }
0x93: {  	s31 =	sadd.s32 $0xFFFFFFC0, s15;
	s28 =	rddreg [dreg:$0x6]  }
0x94: {  	p1 =	sge.u32 s31, s28  }
0x95: {  	s16 =	smul.u32 @!p1 $0xCD, s6;
	_ =	sdelay $0x1  }
0x96: {  	s16 =	sshrl.u32 @!p1 s16, $0xA  }
0x97: {  	s16 =	sand.u32 @!p1 $0x3F, s16  }
0x98: {  	s16 =	smul.u32 @!p1 $0x5, s16  }
0x99: {  	s18 =	smul.u32 $0xCD, s13  }
0x9a: {  	[sflag:s26] =	ssyncset.done $0x0;
	s6 =	ssub.s32 @!p1 s6, s16  }
0x9b: {  	s19 =	sshrl.u32 s18, $0xA;
	[sflag:s26] =	ssyncadd.s32 $0xFFFFC000;
	s6 =	sand.u32 @!p1 $0xFF, s6  }
0x9c: {  	s9 =	simm.s32 @!p1 $0x80;
	s16 =	sshll.u32 @!p1 s10, $0xE;
	s6 =	sshll.u32 @!p1 s6, $0x7  }
0x9d: {  	s10 =	sor.u32 @!p1 $0x8, s10;
	s16 =	sadd.s32 @!p1 $0x14080, s16;
	s6 =	sadd.s32 @!p1 $0x13C80, s6  }
0x9e: {  	[spmem:s3] =	stream.indirect.scatter.add.f32 @!p1 [tilespmem:s16], [sflag:s10], $0x80, s6, s9, $0xb8;
	[tilespmem:$0x1C080] =	vst v63  }
0x9f: {  	s6 =	sand.u32 $0x3F, s19  }
0xa0: {  	s20 =	sadd.s32 s15, s5;
	s6 =	smul.u32 $0x5, s6  }
0xa1: {  	p1 =	slt.u32 s20, $0x4E2  }
0xa2: {  	s14 =	simm.s32 @!p1 $0x0;
	s6 =	ssub.s32 s13, s6  }
0xa3: {  	s21 =	sadd.s32 s7, s14;
	s6 =	sand.u32 $0xFF, s6  }
0xa4: {  	s9 =	sshrl.u32 s21, $0x2;
	s22 =	sshll.u32 s6, $0x7  }
0xa5: {  	s24 =	sadd.s32 s9, s8;
	s6 =	sadd.s32 $0x1, s6;
	s23 =	sadd.s32 $0x13880, s22  }
0xa6: {  	[tilespmem:s23], [sflag:s6] =	stream.linear.gather [hbm4b:s24+s4], $0x80, $0x38;
	[tilespmem:$0x1C080] =	vst v63  }
0xa7: {  	s9 =	sadd.s32 s2, s9;
	s10 =	sadd.s32 $0x13C80, s22  }
0xa8: {  	[tilespmem:s10], [sflag:s6] =	stream.linear.gather [hbm4b:s9+s4], $0x80, $0x38;
	[tilespmem:$0x1C080] =	vst v63  }
0xa9: {  	s6 =	simm.s32 @!p0 $0x8  }
0xaa: {  	_ =	swait.ge @!p0 [sflag:s6], $0x4000  }
0xab: {  	[sflag:s6] =	ssyncset.done @!p0 $0x0  }
0xac: {  	s25 =	simm.s32 $0x7;
	[sflag:s6] =	ssyncadd.s32 @!p0 $0xFFFFC000  }
0xad: {  	_ =	swait.ge [sflag:s25], $0x4000  }
0xae: {  	[sflag:s25] =	ssyncset.done $0x0  }
0xaf: {  	[sflag:s25] =	ssyncadd.s32 $0xFFFFC000  }
0xb0: {  	_ =	swait.ge [sflag:s29], $0x80  }
0xb1: {  	[sflag:s29] =	ssyncset.done $0x0  }
0xb2: {  	[sflag:s29] =	ssyncadd.s32 $0xFFFFFF80  }
0xb3: {  	_ =	swait.ge [sflag:s29], $0x80  }
0xb4: {  	[sflag:s29] =	ssyncset.done $0x0  }
0xb5: {  	[sflag:s29] =	ssyncadd.s32 $0xFFFFFF80  }
0xb6: {  	_ =	swait.ge [sflag:s0], $0x80  }
0xb7: {  	[sflag:s0] =	ssyncset.done $0x0  }
0xb8: {  	[sflag:s0] =	ssyncadd.s32 $0xFFFFFF80  }
0xb9: {  	_ =	swait.ge [sflag:s0], $0x80  }
0xba: {  	[sflag:s0] =	ssyncset.done $0x0  }
0xbb: {  	s26 =	simm.s32 $0x3;
	[sflag:s0] =	ssyncadd.s32 $0xFFFFFF80  }
0xbc: {  	_ =	swait.ge [sflag:s26], $0x80  }
0xbd: {  	[sflag:s26] =	ssyncset.done $0x0  }
0xbe: {  	[sflag:s26] =	ssyncadd.s32 $0xFFFFFF80  }
0xbf: {  	_ =	swait.ge [sflag:s26], $0x80  }
0xc0: {  	[sflag:s26] =	ssyncset.done $0x0  }
0xc1: {  	[sflag:s26] =	ssyncadd.s32 $0xFFFFFF80  }
0xc2: {  	[bflag:$0x0] =	sbarrier.arrive $0xFFFF  }
0xc3: {  	s14 =	rddreg [dreg:$0x11]  }
0xc4: {  	s15 =	simm.s32 $0xA;
	s28 =	rddreg [dreg:$0x15]  }
0xc5: {  	[hbm:s28], [sflag:s14] =	dma.local [spmem:s12], $0x2800  }
0xc6: {  	_ =	swait.ge [sflag:s15], $0x2800  }
0xc7: {  	s11 =	sadd.s32 $0x1, s11;
	s31 =	rddreg [dreg:$0x14]  }
0xc8: {  	p1 =	sne.s32 s11, s31  }
.Ltmp1:
0xc9: {  	_ = 	snop;
	(pc) =	sbr.rel @p1 .LBB2_1-.Ltmp1, $3  }
0xca: {  	_ =	sdelay $0x1  }
0xcb: {  	[sflag:s15] =	ssyncset.done $0x0  }
0xcc: {  	[sflag:s15] =	ssyncadd.s32 $0xFFFFD800  }
0xcd: {  	_ =	sfence.sel $0x180000  }
0xce: {  	[bflag:$0x0] =	sbarrier.arrive $0xFFFF  }
0xcf: {  	_ =	strace $0x90000047  }
0xd0: {  	[bflag:$0x2] =	sbarrier.arrive $0xFFFF  }
0xd1: {  	p0 =	sne.s32 s5, $0x0;
	s0 =	rddreg [dreg:$0x5]  }
0xd2: {  	s0 =	sadd.s32 @!p0 $0x100000, s0  }
0xd3: {  	[sflag:s0] =	ssyncadd.tile.s32 @!p0 $0x1;
	_ =	shalt  }
.Lfunc_end2:
_tile_overlayer_lowered:
.L_overlay_start_2:
0xd4: {  	(tag) =	ssettag $0x2  }
0xd5: {  	s0 =	rddreg [dreg:$0x0];
	s2 =	stileid.u32  }
0xd6: {  	s1 =	rddreg [dreg:$0x1];
	p0 =	sne.s32 s2, $0x0  }
0xd7: {  	s3 =	rddreg [dreg:$0x2];
	[bflag:$0x3] =	sbarrier.arrive $0xFFFF;
	s2 =	simm.s32 @!p0 $0x1C0A  }
0xd8: {  	[timem:s3], [sflag:s2] =	dma.local @!p0 [hbm:s0], s1  }
0xd9: {  	s0 =	simm.s32 @!p0 $0xA  }
0xda: {  	_ =	swait.ge @!p0 [sflag:s0], s1  }
0xdb: {  	s1 =	ssub.s32 @!p0 $0x0, s1;
	[sflag:s0] =	ssyncset.done @!p0 $0x0  }
0xdc: {  	[sflag:s0] =	ssyncadd.s32 @!p0 s1  }
0xdd: {  	[bflag:$0x3] =	sbarrier.arrive $0xFFFF  }
0xde: {  	_ =	shalt  }

</sc_bundles>
